<compile_context>
chip_gen: v7x
topology: tpu7x:2x2x1
jax: 0.10.2.dev20260603
libtpu: 0.0.44.dev20260713+nightly
codegen_flags: <defaults>
</compile_context>

<pallas_src>
import jax
import jax.numpy as jnp
from jax import lax
from jax.experimental import pallas as pl
from jax.experimental.pallas import tpu as pltpu
from jax.experimental.pallas import tpu_sc as plsc

H = 512
W = 512
B = 4
N = 2_000_000
S = 16
CNT = N // B
GRID = B * S * H * W

_EVL = 16_000
_EVR = N // _EVL
_EVBL = 3_200


def _p1_body(ev_ref, tmax_ref, sxy_ref):
    step = pl.program_id(0)

    @pl.when(step == 0)
    def _():
        tmax_ref[...] = jnp.full((1, 128), -jnp.inf, jnp.float32)
        sxy_ref[...] = jnp.zeros((1, 128), jnp.int32)

    x = ev_ref[0].astype(jnp.int32)
    y = ev_ref[1].astype(jnp.int32)
    t = ev_ref[2]
    rr = lax.broadcasted_iota(jnp.int32, (_EVR, _EVBL), 0)
    cc = lax.broadcasted_iota(jnp.int32, (_EVR, _EVBL), 1)
    p = rr * _EVL + step * _EVBL + cc
    bp = ((p >= CNT).astype(jnp.int32) + (p >= 2 * CNT).astype(jnp.int32)
          + (p >= 3 * CNT).astype(jnp.int32))
    tval = jnp.max(t)
    lane = lax.broadcasted_iota(jnp.int32, (1, 128), 1)
    tmax_ref[...] = jnp.maximum(tmax_ref[...], jnp.where(lane == 0, tval, -jnp.inf))
    acc = sxy_ref[...]
    for k in range(B):
        m = bp == k
        sxk = jnp.sum(jnp.where(m, x, 0))
        syk = jnp.sum(jnp.where(m, y, 0))
        acc = acc + jnp.where(lane == k, sxk, 0) + jnp.where(lane == 4 + k, syk, 0)
    sxy_ref[...] = acc


def _p1(evT):
    return pl.pallas_call(
        _p1_body,
        grid=(_EVL // _EVBL,),
        in_specs=[pl.BlockSpec((5, _EVR, _EVBL), lambda i: (0, 0, i))],
        out_specs=[pl.BlockSpec((1, 128), lambda i: (0, 0)),
                   pl.BlockSpec((1, 128), lambda i: (0, 0))],
        out_shape=[jax.ShapeDtypeStruct((1, 128), jnp.float32),
                   jax.ShapeDtypeStruct((1, 128), jnp.int32)],
    )(evT)


_P2_LANES = 16_000
_P2_BL = 3_200
_P2_ROWS = N // _P2_LANES
_IDX_ROWS = _P2_ROWS + 5


def _p2_body(tmax_ref, ev_ref, idx_ref):
    dv = tmax_ref[0, 0] * jnp.float32(1.001)
    x = ev_ref[0]
    y = ev_ref[1]
    t = ev_ref[2]
    bb = ev_ref[4]
    ts = ((t / dv) * jnp.float32(S)).astype(jnp.int32)
    vals = (x.astype(jnp.int32) + W * y.astype(jnp.int32)
            + (W * H) * ts + (W * H * S) * bb.astype(jnp.int32))
    idx_ref[pl.ds(0, _P2_ROWS)] = vals
    idx_ref[pl.ds(_P2_ROWS, 5)] = vals[0:5]


def _p2(tmaxv, evT):
    return pl.pallas_call(
        _p2_body,
        grid=(_P2_LANES // _P2_BL,),
        in_specs=[pl.BlockSpec((1, 128), lambda i: (0, 0)),
                  pl.BlockSpec((5, _P2_ROWS, _P2_BL), lambda i: (0, 0, i))],
        out_specs=[pl.BlockSpec((_IDX_ROWS, _P2_BL), lambda i: (0, i))],
        out_shape=[jax.ShapeDtypeStruct((_IDX_ROWS, _P2_LANES), jnp.int32)],
    )(tmaxv, evT)[0]


_NW = 32
_ZB = 16_384
_ZSPAN = GRID // _NW
_WN = 64_512
_HN = _WN // 2


def _p3_body(idx_hbm, grid_hbm, zbuf, idxa, idxb, onesv, zsem, gsem, ssem):
    c = lax.axis_index("c")
    s = lax.axis_index("s")
    wid = c * 16 + s

    estart = pl.multiple_of(((wid * (N // _NW)) // 1024) * 1024, 1024)
    cpa = pltpu.async_copy(idx_hbm.at[pl.ds(estart, _HN)], idxa, gsem)

    z16 = jnp.zeros((16,), jnp.float32)

    def _fz(i, carry):
        zbuf[pl.ds(i * 16, 16)] = z16
        return carry
    lax.fori_loop(0, _ZB // 16, _fz, 0)

    o16 = jnp.ones((16,), jnp.float32)

    def _fo(i, carry):
        onesv[pl.ds(i * 16, 16)] = o16
        return carry
    lax.fori_loop(0, _HN // 16, _fo, 0)

    zbase = wid * _ZSPAN
    zcps = [pltpu.async_copy(zbuf, grid_hbm.at[pl.ds(zbase + k * _ZB, _ZB)], zsem)
            for k in range(_ZSPAN // _ZB)]
    for cp in zcps:
        cp.wait()
    plsc.subcore_barrier()

    cpa.wait()
    pltpu.sync_copy(idx_hbm.at[pl.ds(estart + _HN, _HN)], idxb)


def _p3(idx):
    import functools
    f = functools.partial(
        pl.kernel,
        out_type=jax.ShapeDtypeStruct((GRID,), jnp.float32),
        mesh=plsc.VectorSubcoreMesh(core_axis_name="c", subcore_axis_name="s"),
        scratch_types=[pltpu.VMEM((_ZB,), jnp.float32),
                       pltpu.VMEM((_HN,), jnp.int32),
                       pltpu.VMEM((_HN,), jnp.int32),
                       pltpu.VMEM((_HN,), jnp.float32),
                       pltpu.SemaphoreType.DMA,
                       pltpu.SemaphoreType.DMA,
                       pltpu.SemaphoreType.DMA],
    )
    return f(_p3_body)(idx)


def _box3(u):
    zr = jnp.zeros((1, W), jnp.float32)
    r = u + jnp.concatenate([u[1:], zr], 0) + jnp.concatenate([zr, u[:-1]], 0)
    zc = jnp.zeros((H, 1), jnp.float32)
    return r + jnp.concatenate([r[:, 1:], zc], 1) + jnp.concatenate([zc, r[:, :-1]], 1)


def _p4_body(ga_ref, gb_ref, ch1_ref, ch2_ref, sums_ref):
    i = pl.program_id(1)
    u = 2.0 * ga_ref[0, 0] + 16.0 * gb_ref[0, 0] - 9.0
    enum = _box3(u) - 2.0 * u
    pos = (enum > 0.0).astype(jnp.float32)[None]

    @pl.when(i == 0)
    def _():
        ch1_ref[...] = jnp.zeros_like(ch1_ref)
        ch2_ref[...] = jnp.zeros_like(ch2_ref)
        sums_ref[...] = jnp.zeros_like(sums_ref)

    ch2_ref[...] += pos

    @pl.when((i >= 6) & (i < 10))
    def _():
        ch1_ref[...] += pos

    ksum = jnp.sum(jnp.maximum(enum, 0.0).astype(jnp.int32))
    lane = lax.broadcasted_iota(jnp.int32, (1, 1, 16), 2)
    sums_ref[...] += jnp.where(lane == i, ksum, 0)


def _p4(G4):
    return pl.pallas_call(
        _p4_body,
        grid=(B, S - 1),
        in_specs=[pl.BlockSpec((1, 1, H, W), lambda b, i: (b, i, 0, 0)),
                  pl.BlockSpec((1, 1, H, W), lambda b, i: (b, i + 1, 0, 0))],
        out_specs=[pl.BlockSpec((1, H, W), lambda b, i: (b, 0, 0)),
                   pl.BlockSpec((1, H, W), lambda b, i: (b, 0, 0)),
                   pl.BlockSpec((1, 1, 16), lambda b, i: (b, 0, 0))],
        out_shape=[jax.ShapeDtypeStruct((B, H, W), jnp.float32),
                   jax.ShapeDtypeStruct((B, H, W), jnp.float32),
                   jax.ShapeDtypeStruct((B, 1, 16), jnp.int32)],
    )(G4, G4)


def _p5_body(mi_ref, ga_ref, gb_ref, ch1_ref, ch2_ref, sxy_ref, out_ref):
    b = pl.program_id(0)
    u = 2.0 * ga_ref[0, 0] + 16.0 * gb_ref[0, 0] - 9.0
    enum = _box3(u) - 2.0 * u
    ch0 = jnp.maximum(enum, 0.0) * jnp.float32(1.0 / 16.0)

    lane = lax.broadcasted_iota(jnp.int32, (1, 128), 1)
    sxy = sxy_ref[...]
    sx = jnp.sum(jnp.where(lane == b, sxy, 0))
    sy = jnp.sum(jnp.where(lane == b + 4, sxy, 0))
    x_mean = sx.astype(jnp.float32) / jnp.float32(CNT)
    y_mean = sy.astype(jnp.float32) / jnp.float32(CNT)
    xd = jnp.floor(jnp.float32(W // 2) - x_mean).astype(jnp.int32)
    yd = jnp.floor(jnp.float32(H // 2) - y_mean).astype(jnp.int32)
    shr = lax.rem(lax.rem(yd, H) + H, H)
    shc = lax.rem(lax.rem(xd, W) + W, W)
    rr = lax.broadcasted_iota(jnp.int32, (H, W), 0)
    cc = lax.broadcasted_iota(jnp.int32, (H, W), 1)
    ok = (rr >= yd) & (rr < H + yd) & (cc >= xd) & (cc < W + xd)

    for ci, img in enumerate((ch0, ch1_ref[0], ch2_ref[0])):
        rolled = pltpu.roll(pltpu.roll(img, shr, 0), shc, 1)
        out_ref[0, ci] = jnp.where(ok, rolled, 0.0)


def _p5(mi, G4, ch1, ch2, sxy):
    return pl.pallas_call(
        _p5_body,
        grid_spec=pltpu.PrefetchScalarGridSpec(
            num_scalar_prefetch=1,
            grid=(B,),
            in_specs=[
                pl.BlockSpec((1, 1, H, W), lambda b, mi_ref: (b, mi_ref[b], 0, 0)),
                pl.BlockSpec((1, 1, H, W), lambda b, mi_ref: (b, mi_ref[b] + 1, 0, 0)),
                pl.BlockSpec((1, H, W), lambda b, mi_ref: (b, 0, 0)),
                pl.BlockSpec((1, H, W), lambda b, mi_ref: (b, 0, 0)),
                pl.BlockSpec((1, 128), lambda b, mi_ref: (0, 0)),
            ],
            out_specs=pl.BlockSpec((1, 3, H, W), lambda b, mi_ref: (b, 0, 0, 0)),
        ),
        out_shape=jax.ShapeDtypeStruct((B, 3, H, W), jnp.float32),
    )(mi, G4, G4, ch1, ch2, sxy)


def kernel(events):
    evT = events.T.reshape(5, _P2_ROWS, _P2_LANES)
    tmaxv, sxy = _p1(evT)
    idx = _p2(tmaxv, evT)
    grid = _p3(idx.reshape(_IDX_ROWS * _P2_LANES))
    G4 = grid.reshape(B, S, H, W)
    ch1, ch2, sums = _p4(G4)
    mi = jnp.argmax(sums[:, 0, :S - 1], axis=1).astype(jnp.int32)
    return _p5(mi, G4, ch1, ch2, sxy)

# --- scband reference (transcript-rebuilt; emitter-appended) ---
"""Pipeline reference for scband-quantization-layer-44117904064642 (READ-ONLY COPY).

The authoritative reference and input builder live on the scoring server;
editing this copy changes nothing except your own understanding.
"""

import jax, jax.numpy as jnp
import numpy as np

H, W = 512, 512
BATCH = 4
N = 2000000
S = 16


def setup_inputs(seed: int = 0):
    key = jax.random.key(seed)
    k1, k2, k3, k4 = jax.random.split(key, 4)
    x = jax.random.randint(k1, (N,), 0, W).astype(jnp.float32)
    y = jax.random.randint(k2, (N,), 0, H).astype(jnp.float32)
    t = jax.random.uniform(k3, (N,), minval=1e-3, maxval=1.0, dtype=jnp.float32)
    p = jax.random.randint(k4, (N,), 0, 2).astype(jnp.float32)
    b = jnp.repeat(jnp.arange(BATCH), N // BATCH).astype(jnp.float32)
    events = jnp.stack([x, y, t, p, b], axis=1)
    return {"events": events}


def _pad4(n):
    return (n, 0) if n >= 0 else (0, -n)


def reference(events):
    B = BATCH
    x = events[:, 0]; y = events[:, 1]; t = events[:, 2]; b = events[:, 4]
    t = t / (jnp.max(t) * 1.001)
    time_separator = (t * S).astype(jnp.int32)
    idx = (x + W * y + (W * H) * time_separator.astype(jnp.float32) + (W * H * S) * b).astype(jnp.int64)
    dilution = jnp.zeros(H * W * S * B, dtype=bool).at[idx].set(True)
    dilution = dilution.reshape(-1, S, H, W).transpose(1, 0, 2, 3).astype(jnp.float32)
    dilution = dilution * 2.0 - 1.0
    erode_w = jnp.ones((B, 1, 3, 3), jnp.float32).at[:, :, 1, 1].set(-1.0) / 16.0
    sums = jnp.zeros((S - 1, B), jnp.float32)
    for i in range(S - 1):
        d = dilution[i] + dilution[i + 1] * 8.0
        d = jax.lax.conv_general_dilated(d[None], erode_w, (1, 1), ((1, 1), (1, 1)), feature_group_count=B)[0]
        d = jax.nn.relu(d)
        dilution = dilution.at[i].set(d)
        sums = sums.at[i].set(d.reshape(B, -1).sum(axis=-1))
    max_idx = jnp.argmax(sums, axis=0)
    concentrate = jnp.zeros((3, B, H, W), jnp.float32)
    concentrate = concentrate.at[0].set(dilution[max_idx, jnp.arange(B)])
    dil_b = dilution > 0
    fragment_size = S // 4
    rand = 6  # fixed for determinism (original uses random.randint(0, S - fragment_size))
    concentrate = concentrate.at[1].set(dil_b[rand:rand + fragment_size].sum(axis=0).astype(jnp.float32))
    concentrate = concentrate.at[2].set(dil_b[0:S - 1].sum(axis=0).astype(jnp.float32))
    concentrate = concentrate.transpose(1, 0, 2, 3)
    b_int = b.astype(jnp.int32)
    for bi in range(B):
        mask = (b_int == bi).astype(jnp.float32)
        cnt = mask.sum()
        x_mean = (x * mask).sum() / cnt
        y_mean = (y * mask).sum() / cnt
        xd = jnp.floor(W // 2 - x_mean).astype(jnp.int32)
        yd = jnp.floor(H // 2 - y_mean).astype(jnp.int32)
        for i in range(3):
            img = concentrate[bi, i]
            padded = jnp.pad(img, ((H, H), (W, W)))
            shifted = jax.lax.dynamic_slice(padded, (H - yd, W - xd), (H, W))
            concentrate = concentrate.at[bi, i].set(shifted)
    return concentrate

if __name__ == "__main__":
    import jax
    _d = setup_inputs()
    print(jax.jit(kernel)(*tuple(_d.values())))

</pallas_src>

<mosaic_0001>
#map = affine_map<(d0, d1) -> (0)>
module attributes {stable_mosaic.version = 14 : i64} {
  func.func @_p3_body(%arg0: i32, %arg1: i32, %arg2: memref<2080000xi32, #tpu.memory_space<hbm>>, %arg3: memref<16777216xf32, #tpu.memory_space<hbm>>, %arg4: memref<16384xf32, #tpu.memory_space<vmem>>, %arg5: memref<32256xi32, #tpu.memory_space<vmem>>, %arg6: memref<32256xi32, #tpu.memory_space<vmem>>, %arg7: memref<32256xf32, #tpu.memory_space<vmem>>, %arg8: memref<!tpu.dma_semaphore, #tpu.memory_space<semaphore_mem>>, %arg9: memref<!tpu.dma_semaphore, #tpu.memory_space<semaphore_mem>>, %arg10: memref<!tpu.dma_semaphore, #tpu.memory_space<semaphore_mem>>) attributes {dimension_semantics = [#tpu.dimension_semantics<core_parallel>, #tpu.dimension_semantics<subcore_parallel>], iteration_bounds = array<i64: 2, 16>, scalar_prefetch = 0 : i64, scratch_operands = 7 : i64, tpu.core_type = #tpu.core_type<sc_vector_subcore>, window_params = [{transform_indices = #map}, {transform_indices = #map}]} {
    %mul3A = arith.constant 16 : i32
    %mul3A_0 = arith.muli %arg0, %mul3A : i32
    %add3A = arith.addi %mul3A_0, %arg1 : i32
    %mul3A_1 = arith.constant 62500 : i32
    %mul3A_2 = arith.muli %add3A, %mul3A_1 : i32
    %jit3A = arith.constant 1024 : i32
    %div3A = arith.divsi %mul3A_2, %jit3A : i32
    %sign3A = arith.constant 0 : i32
    %sign3A_3 = arith.cmpi sgt, %mul3A_2, %sign3A : i32
    %sign3A_4 = arith.extui %sign3A_3 : i1 to i32
    %sign3A_5 = arith.constant 0 : i32
    %sign3A_6 = arith.cmpi slt, %mul3A_2, %sign3A_5 : i32
    %sign3A_7 = arith.extui %sign3A_6 : i1 to i32
    %sign3A_8 = arith.subi %sign3A_4, %sign3A_7 : i32
    %sign3A_9 = arith.constant 0 : i32
    %sign3A_10 = arith.cmpi sgt, %jit3A, %sign3A_9 : i32
    %sign3A_11 = arith.extui %sign3A_10 : i1 to i32
    %sign3A_12 = arith.constant 0 : i32
    %sign3A_13 = arith.cmpi slt, %jit3A, %sign3A_12 : i32
    %sign3A_14 = arith.extui %sign3A_13 : i1 to i32
    %sign3A_15 = arith.subi %sign3A_11, %sign3A_14 : i32
    %ne3A = arith.cmpi ne, %sign3A_8, %sign3A_15 : i32
    %rem3A = arith.remsi %mul3A_2, %jit3A : i32
    %ne3A_16 = arith.constant 0 : i32
    %ne3A_17 = arith.cmpi ne, %rem3A, %ne3A_16 : i32
    %and3A = arith.andi %ne3A, %ne3A_17 : i1
    %sub3A = arith.constant 1 : i32
    %sub3A_18 = arith.subi %div3A, %sub3A : i32
    %select_n3A = arith.select %and3A, %sub3A_18, %div3A : i32
    %mul3A_19 = arith.constant 1024 : i32
    %mul3A_20 = arith.muli %select_n3A, %mul3A_19 : i32
    %multiple_of3A = tpu.assume_multiple %mul3A_20, 1024 : i32
    %dma_start3A = tpu.memref_slice %arg2[%multiple_of3A] : memref<2080000xi32, #tpu.memory_space<hbm>> -> memref<32256xi32, #tpu.memory_space<hbm>>
    %dma_start3A_21 = tpu.memref_slice %arg2[%multiple_of3A] : memref<2080000xi32, #tpu.memory_space<hbm>> -> memref<32256xi32, #tpu.memory_space<hbm>>
    tpu.enqueue_dma source(%dma_start3A_21 : memref<32256xi32, #tpu.memory_space<hbm>>) target(%arg5 : memref<32256xi32, #tpu.memory_space<vmem>>) target_semaphore(%arg9 : memref<!tpu.dma_semaphore, #tpu.memory_space<semaphore_mem>>)
    %broadcast_in_dim3A = arith.constant 0.000000e+00 : f32
    %broadcast_in_dim3A_22 = vector.broadcast %broadcast_in_dim3A : f32 to vector<16xf32>
    %scan3A = arith.constant 0 : i32
    %scan3A_23 = arith.constant 0 : i32
    %scan3A_24 = arith.constant 1024 : i32
    %scan3A_25 = arith.addi %scan3A_23, %scan3A_24 : i32
    %scan3A_26 = arith.constant 1 : i32
    scf.for %scan3A_233 = %scan3A_23 to %scan3A_25 step %scan3A_26  : i32 {
      %mul3A_234 = arith.constant 16 : i32
      %mul3A_235 = arith.muli %scan3A_233, %mul3A_234 : i32
      %swap3A = arith.index_cast %mul3A_235 : i32 to index
      %swap3A_236 = tpu.vector_load %arg4[%swap3A] {strides = array<i32>} : memref<16384xf32, #tpu.memory_space<vmem>>, vector<16xf32>,
      %swap3A_237 = vector.shape_cast %swap3A_236 : vector<16xf32> to vector<16xf32>
      %swap3A_238 = vector.shape_cast %broadcast_in_dim3A_22 : vector<16xf32> to vector<16xf32>
      tpu.vector_store %arg4[%swap3A], %swap3A_238 {strides = array<i32>} : memref<16384xf32, #tpu.memory_space<vmem>>, vector<16xf32>,
    }
    %scan3A_27 = arith.constant 1024 : i32
    %broadcast_in_dim3A_28 = arith.constant 1.000000e+00 : f32
    %broadcast_in_dim3A_29 = vector.broadcast %broadcast_in_dim3A_28 : f32 to vector<16xf32>
    %scan3A_30 = arith.constant 0 : i32
    %scan3A_31 = arith.constant 0 : i32
    %scan3A_32 = arith.constant 2016 : i32
    %scan3A_33 = arith.addi %scan3A_31, %scan3A_32 : i32
    %scan3A_34 = arith.constant 1 : i32
    scf.for %scan3A_233 = %scan3A_31 to %scan3A_33 step %scan3A_34  : i32 {
      %mul3A_234 = arith.constant 16 : i32
      %mul3A_235 = arith.muli %scan3A_233, %mul3A_234 : i32
      %swap3A = arith.index_cast %mul3A_235 : i32 to index
      %swap3A_236 = tpu.vector_load %arg7[%swap3A] {strides = array<i32>} : memref<32256xf32, #tpu.memory_space<vmem>>, vector<16xf32>,
      %swap3A_237 = vector.shape_cast %swap3A_236 : vector<16xf32> to vector<16xf32>
      %swap3A_238 = vector.shape_cast %broadcast_in_dim3A_29 : vector<16xf32> to vector<16xf32>
      tpu.vector_store %arg7[%swap3A], %swap3A_238 {strides = array<i32>} : memref<32256xf32, #tpu.memory_space<vmem>>, vector<16xf32>,
    }
    %scan3A_35 = arith.constant 2016 : i32
    %mul3A_36 = arith.constant 524288 : i32
    %mul3A_37 = arith.muli %add3A, %mul3A_36 : i32
    %add3A_38 = arith.constant 0 : i32
    %add3A_39 = arith.addi %mul3A_37, %add3A_38 : i32
    %dma_start3A_40 = tpu.memref_slice %arg3[%add3A_39] : memref<16777216xf32, #tpu.memory_space<hbm>> -> memref<16384xf32, #tpu.memory_space<hbm>>
    %dma_start3A_41 = tpu.memref_slice %arg3[%add3A_39] : memref<16777216xf32, #tpu.memory_space<hbm>> -> memref<16384xf32, #tpu.memory_space<hbm>>
    tpu.enqueue_dma source(%arg4 : memref<16384xf32, #tpu.memory_space<vmem>>) target(%dma_start3A_41 : memref<16384xf32, #tpu.memory_space<hbm>>) target_semaphore(%arg8 : memref<!tpu.dma_semaphore, #tpu.memory_space<semaphore_mem>>)
    %add3A_42 = arith.constant 16384 : i32
    %add3A_43 = arith.addi %mul3A_37, %add3A_42 : i32
    %dma_start3A_44 = tpu.memref_slice %arg3[%add3A_43] : memref<16777216xf32, #tpu.memory_space<hbm>> -> memref<16384xf32, #tpu.memory_space<hbm>>
    %dma_start3A_45 = tpu.memref_slice %arg3[%add3A_43] : memref<16777216xf32, #tpu.memory_space<hbm>> -> memref<16384xf32, #tpu.memory_space<hbm>>
    tpu.enqueue_dma source(%arg4 : memref<16384xf32, #tpu.memory_space<vmem>>) target(%dma_start3A_45 : memref<16384xf32, #tpu.memory_space<hbm>>) target_semaphore(%arg8 : memref<!tpu.dma_semaphore, #tpu.memory_space<semaphore_mem>>)
    %add3A_46 = arith.constant 32768 : i32
    %add3A_47 = arith.addi %mul3A_37, %add3A_46 : i32
    %dma_start3A_48 = tpu.memref_slice %arg3[%add3A_47] : memref<16777216xf32, #tpu.memory_space<hbm>> -> memref<16384xf32, #tpu.memory_space<hbm>>
    %dma_start3A_49 = tpu.memref_slice %arg3[%add3A_47] : memref<16777216xf32, #tpu.memory_space<hbm>> -> memref<16384xf32, #tpu.memory_space<hbm>>
    tpu.enqueue_dma source(%arg4 : memref<16384xf32, #tpu.memory_space<vmem>>) target(%dma_start3A_49 : memref<16384xf32, #tpu.memory_space<hbm>>) target_semaphore(%arg8 : memref<!tpu.dma_semaphore, #tpu.memory_space<semaphore_mem>>)
    %add3A_50 = arith.constant 49152 : i32
    %add3A_51 = arith.addi %mul3A_37, %add3A_50 : i32
    %dma_start3A_52 = tpu.memref_slice %arg3[%add3A_51] : memref<16777216xf32, #tpu.memory_space<hbm>> -> memref<16384xf32, #tpu.memory_space<hbm>>
    %dma_start3A_53 = tpu.memref_slice %arg3[%add3A_51] : memref<16777216xf32, #tpu.memory_space<hbm>> -> memref<16384xf32, #tpu.memory_space<hbm>>
    tpu.enqueue_dma source(%arg4 : memref<16384xf32, #tpu.memory_space<vmem>>) target(%dma_start3A_53 : memref<16384xf32, #tpu.memory_space<hbm>>) target_semaphore(%arg8 : memref<!tpu.dma_semaphore, #tpu.memory_space<semaphore_mem>>)
    %add3A_54 = arith.constant 65536 : i32
    %add3A_55 = arith.addi %mul3A_37, %add3A_54 : i32
    %dma_start3A_56 = tpu.memref_slice %arg3[%add3A_55] : memref<16777216xf32, #tpu.memory_space<hbm>> -> memref<16384xf32, #tpu.memory_space<hbm>>
    %dma_start3A_57 = tpu.memref_slice %arg3[%add3A_55] : memref<16777216xf32, #tpu.memory_space<hbm>> -> memref<16384xf32, #tpu.memory_space<hbm>>
    tpu.enqueue_dma source(%arg4 : memref<16384xf32, #tpu.memory_space<vmem>>) target(%dma_start3A_57 : memref<16384xf32, #tpu.memory_space<hbm>>) target_semaphore(%arg8 : memref<!tpu.dma_semaphore, #tpu.memory_space<semaphore_mem>>)
    %add3A_58 = arith.constant 81920 : i32
    %add3A_59 = arith.addi %mul3A_37, %add3A_58 : i32
    %dma_start3A_60 = tpu.memref_slice %arg3[%add3A_59] : memref<16777216xf32, #tpu.memory_space<hbm>> -> memref<16384xf32, #tpu.memory_space<hbm>>
    %dma_start3A_61 = tpu.memref_slice %arg3[%add3A_59] : memref<16777216xf32, #tpu.memory_space<hbm>> -> memref<16384xf32, #tpu.memory_space<hbm>>
    tpu.enqueue_dma source(%arg4 : memref<16384xf32, #tpu.memory_space<vmem>>) target(%dma_start3A_61 : memref<16384xf32, #tpu.memory_space<hbm>>) target_semaphore(%arg8 : memref<!tpu.dma_semaphore, #tpu.memory_space<semaphore_mem>>)
    %add3A_62 = arith.constant 98304 : i32
    %add3A_63 = arith.addi %mul3A_37, %add3A_62 : i32
    %dma_start3A_64 = tpu.memref_slice %arg3[%add3A_63] : memref<16777216xf32, #tpu.memory_space<hbm>> -> memref<16384xf32, #tpu.memory_space<hbm>>
    %dma_start3A_65 = tpu.memref_slice %arg3[%add3A_63] : memref<16777216xf32, #tpu.memory_space<hbm>> -> memref<16384xf32, #tpu.memory_space<hbm>>
    tpu.enqueue_dma source(%arg4 : memref<16384xf32, #tpu.memory_space<vmem>>) target(%dma_start3A_65 : memref<16384xf32, #tpu.memory_space<hbm>>) target_semaphore(%arg8 : memref<!tpu.dma_semaphore, #tpu.memory_space<semaphore_mem>>)
    %add3A_66 = arith.constant 114688 : i32
    %add3A_67 = arith.addi %mul3A_37, %add3A_66 : i32
    %dma_start3A_68 = tpu.memref_slice %arg3[%add3A_67] : memref<16777216xf32, #tpu.memory_space<hbm>> -> memref<16384xf32, #tpu.memory_space<hbm>>
    %dma_start3A_69 = tpu.memref_slice %arg3[%add3A_67] : memref<16777216xf32, #tpu.memory_space<hbm>> -> memref<16384xf32, #tpu.memory_space<hbm>>
    tpu.enqueue_dma source(%arg4 : memref<16384xf32, #tpu.memory_space<vmem>>) target(%dma_start3A_69 : memref<16384xf32, #tpu.memory_space<hbm>>) target_semaphore(%arg8 : memref<!tpu.dma_semaphore, #tpu.memory_space<semaphore_mem>>)
    %add3A_70 = arith.constant 131072 : i32
    %add3A_71 = arith.addi %mul3A_37, %add3A_70 : i32
    %dma_start3A_72 = tpu.memref_slice %arg3[%add3A_71] : memref<16777216xf32, #tpu.memory_space<hbm>> -> memref<16384xf32, #tpu.memory_space<hbm>>
    %dma_start3A_73 = tpu.memref_slice %arg3[%add3A_71] : memref<16777216xf32, #tpu.memory_space<hbm>> -> memref<16384xf32, #tpu.memory_space<hbm>>
    tpu.enqueue_dma source(%arg4 : memref<16384xf32, #tpu.memory_space<vmem>>) target(%dma_start3A_73 : memref<16384xf32, #tpu.memory_space<hbm>>) target_semaphore(%arg8 : memref<!tpu.dma_semaphore, #tpu.memory_space<semaphore_mem>>)
    %add3A_74 = arith.constant 147456 : i32
    %add3A_75 = arith.addi %mul3A_37, %add3A_74 : i32
    %dma_start3A_76 = tpu.memref_slice %arg3[%add3A_75] : memref<16777216xf32, #tpu.memory_space<hbm>> -> memref<16384xf32, #tpu.memory_space<hbm>>
    %dma_start3A_77 = tpu.memref_slice %arg3[%add3A_75] : memref<16777216xf32, #tpu.memory_space<hbm>> -> memref<16384xf32, #tpu.memory_space<hbm>>
    tpu.enqueue_dma source(%arg4 : memref<16384xf32, #tpu.memory_space<vmem>>) target(%dma_start3A_77 : memref<16384xf32, #tpu.memory_space<hbm>>) target_semaphore(%arg8 : memref<!tpu.dma_semaphore, #tpu.memory_space<semaphore_mem>>)
    %add3A_78 = arith.constant 163840 : i32
    %add3A_79 = arith.addi %mul3A_37, %add3A_78 : i32
    %dma_start3A_80 = tpu.memref_slice %arg3[%add3A_79] : memref<16777216xf32, #tpu.memory_space<hbm>> -> memref<16384xf32, #tpu.memory_space<hbm>>
    %dma_start3A_81 = tpu.memref_slice %arg3[%add3A_79] : memref<16777216xf32, #tpu.memory_space<hbm>> -> memref<16384xf32, #tpu.memory_space<hbm>>
    tpu.enqueue_dma source(%arg4 : memref<16384xf32, #tpu.memory_space<vmem>>) target(%dma_start3A_81 : memref<16384xf32, #tpu.memory_space<hbm>>) target_semaphore(%arg8 : memref<!tpu.dma_semaphore, #tpu.memory_space<semaphore_mem>>)
    %add3A_82 = arith.constant 180224 : i32
    %add3A_83 = arith.addi %mul3A_37, %add3A_82 : i32
    %dma_start3A_84 = tpu.memref_slice %arg3[%add3A_83] : memref<16777216xf32, #tpu.memory_space<hbm>> -> memref<16384xf32, #tpu.memory_space<hbm>>
    %dma_start3A_85 = tpu.memref_slice %arg3[%add3A_83] : memref<16777216xf32, #tpu.memory_space<hbm>> -> memref<16384xf32, #tpu.memory_space<hbm>>
    tpu.enqueue_dma source(%arg4 : memref<16384xf32, #tpu.memory_space<vmem>>) target(%dma_start3A_85 : memref<16384xf32, #tpu.memory_space<hbm>>) target_semaphore(%arg8 : memref<!tpu.dma_semaphore, #tpu.memory_space<semaphore_mem>>)
    %add3A_86 = arith.constant 196608 : i32
    %add3A_87 = arith.addi %mul3A_37, %add3A_86 : i32
    %dma_start3A_88 = tpu.memref_slice %arg3[%add3A_87] : memref<16777216xf32, #tpu.memory_space<hbm>> -> memref<16384xf32, #tpu.memory_space<hbm>>
    %dma_start3A_89 = tpu.memref_slice %arg3[%add3A_87] : memref<16777216xf32, #tpu.memory_space<hbm>> -> memref<16384xf32, #tpu.memory_space<hbm>>
    tpu.enqueue_dma source(%arg4 : memref<16384xf32, #tpu.memory_space<vmem>>) target(%dma_start3A_89 : memref<16384xf32, #tpu.memory_space<hbm>>) target_semaphore(%arg8 : memref<!tpu.dma_semaphore, #tpu.memory_space<semaphore_mem>>)
    %add3A_90 = arith.constant 212992 : i32
    %add3A_91 = arith.addi %mul3A_37, %add3A_90 : i32
    %dma_start3A_92 = tpu.memref_slice %arg3[%add3A_91] : memref<16777216xf32, #tpu.memory_space<hbm>> -> memref<16384xf32, #tpu.memory_space<hbm>>
    %dma_start3A_93 = tpu.memref_slice %arg3[%add3A_91] : memref<16777216xf32, #tpu.memory_space<hbm>> -> memref<16384xf32, #tpu.memory_space<hbm>>
    tpu.enqueue_dma source(%arg4 : memref<16384xf32, #tpu.memory_space<vmem>>) target(%dma_start3A_93 : memref<16384xf32, #tpu.memory_space<hbm>>) target_semaphore(%arg8 : memref<!tpu.dma_semaphore, #tpu.memory_space<semaphore_mem>>)
    %add3A_94 = arith.constant 229376 : i32
    %add3A_95 = arith.addi %mul3A_37, %add3A_94 : i32
    %dma_start3A_96 = tpu.memref_slice %arg3[%add3A_95] : memref<16777216xf32, #tpu.memory_space<hbm>> -> memref<16384xf32, #tpu.memory_space<hbm>>
    %dma_start3A_97 = tpu.memref_slice %arg3[%add3A_95] : memref<16777216xf32, #tpu.memory_space<hbm>> -> memref<16384xf32, #tpu.memory_space<hbm>>
    tpu.enqueue_dma source(%arg4 : memref<16384xf32, #tpu.memory_space<vmem>>) target(%dma_start3A_97 : memref<16384xf32, #tpu.memory_space<hbm>>) target_semaphore(%arg8 : memref<!tpu.dma_semaphore, #tpu.memory_space<semaphore_mem>>)
    %add3A_98 = arith.constant 245760 : i32
    %add3A_99 = arith.addi %mul3A_37, %add3A_98 : i32
    %dma_start3A_100 = tpu.memref_slice %arg3[%add3A_99] : memref<16777216xf32, #tpu.memory_space<hbm>> -> memref<16384xf32, #tpu.memory_space<hbm>>
    %dma_start3A_101 = tpu.memref_slice %arg3[%add3A_99] : memref<16777216xf32, #tpu.memory_space<hbm>> -> memref<16384xf32, #tpu.memory_space<hbm>>
    tpu.enqueue_dma source(%arg4 : memref<16384xf32, #tpu.memory_space<vmem>>) target(%dma_start3A_101 : memref<16384xf32, #tpu.memory_space<hbm>>) target_semaphore(%arg8 : memref<!tpu.dma_semaphore, #tpu.memory_space<semaphore_mem>>)
    %add3A_102 = arith.constant 262144 : i32
    %add3A_103 = arith.addi %mul3A_37, %add3A_102 : i32
    %dma_start3A_104 = tpu.memref_slice %arg3[%add3A_103] : memref<16777216xf32, #tpu.memory_space<hbm>> -> memref<16384xf32, #tpu.memory_space<hbm>>
    %dma_start3A_105 = tpu.memref_slice %arg3[%add3A_103] : memref<16777216xf32, #tpu.memory_space<hbm>> -> memref<16384xf32, #tpu.memory_space<hbm>>
    tpu.enqueue_dma source(%arg4 : memref<16384xf32, #tpu.memory_space<vmem>>) target(%dma_start3A_105 : memref<16384xf32, #tpu.memory_space<hbm>>) target_semaphore(%arg8 : memref<!tpu.dma_semaphore, #tpu.memory_space<semaphore_mem>>)
    %add3A_106 = arith.constant 278528 : i32
    %add3A_107 = arith.addi %mul3A_37, %add3A_106 : i32
    %dma_start3A_108 = tpu.memref_slice %arg3[%add3A_107] : memref<16777216xf32, #tpu.memory_space<hbm>> -> memref<16384xf32, #tpu.memory_space<hbm>>
    %dma_start3A_109 = tpu.memref_slice %arg3[%add3A_107] : memref<16777216xf32, #tpu.memory_space<hbm>> -> memref<16384xf32, #tpu.memory_space<hbm>>
    tpu.enqueue_dma source(%arg4 : memref<16384xf32, #tpu.memory_space<vmem>>) target(%dma_start3A_109 : memref<16384xf32, #tpu.memory_space<hbm>>) target_semaphore(%arg8 : memref<!tpu.dma_semaphore, #tpu.memory_space<semaphore_mem>>)
    %add3A_110 = arith.constant 294912 : i32
    %add3A_111 = arith.addi %mul3A_37, %add3A_110 : i32
    %dma_start3A_112 = tpu.memref_slice %arg3[%add3A_111] : memref<16777216xf32, #tpu.memory_space<hbm>> -> memref<16384xf32, #tpu.memory_space<hbm>>
    %dma_start3A_113 = tpu.memref_slice %arg3[%add3A_111] : memref<16777216xf32, #tpu.memory_space<hbm>> -> memref<16384xf32, #tpu.memory_space<hbm>>
    tpu.enqueue_dma source(%arg4 : memref<16384xf32, #tpu.memory_space<vmem>>) target(%dma_start3A_113 : memref<16384xf32, #tpu.memory_space<hbm>>) target_semaphore(%arg8 : memref<!tpu.dma_semaphore, #tpu.memory_space<semaphore_mem>>)
    %add3A_114 = arith.constant 311296 : i32
    %add3A_115 = arith.addi %mul3A_37, %add3A_114 : i32
    %dma_start3A_116 = tpu.memref_slice %arg3[%add3A_115] : memref<16777216xf32, #tpu.memory_space<hbm>> -> memref<16384xf32, #tpu.memory_space<hbm>>
    %dma_start3A_117 = tpu.memref_slice %arg3[%add3A_115] : memref<16777216xf32, #tpu.memory_space<hbm>> -> memref<16384xf32, #tpu.memory_space<hbm>>
    tpu.enqueue_dma source(%arg4 : memref<16384xf32, #tpu.memory_space<vmem>>) target(%dma_start3A_117 : memref<16384xf32, #tpu.memory_space<hbm>>) target_semaphore(%arg8 : memref<!tpu.dma_semaphore, #tpu.memory_space<semaphore_mem>>)
    %add3A_118 = arith.constant 327680 : i32
    %add3A_119 = arith.addi %mul3A_37, %add3A_118 : i32
    %dma_start3A_120 = tpu.memref_slice %arg3[%add3A_119] : memref<16777216xf32, #tpu.memory_space<hbm>> -> memref<16384xf32, #tpu.memory_space<hbm>>
    %dma_start3A_121 = tpu.memref_slice %arg3[%add3A_119] : memref<16777216xf32, #tpu.memory_space<hbm>> -> memref<16384xf32, #tpu.memory_space<hbm>>
    tpu.enqueue_dma source(%arg4 : memref<16384xf32, #tpu.memory_space<vmem>>) target(%dma_start3A_121 : memref<16384xf32, #tpu.memory_space<hbm>>) target_semaphore(%arg8 : memref<!tpu.dma_semaphore, #tpu.memory_space<semaphore_mem>>)
    %add3A_122 = arith.constant 344064 : i32
    %add3A_123 = arith.addi %mul3A_37, %add3A_122 : i32
    %dma_start3A_124 = tpu.memref_slice %arg3[%add3A_123] : memref<16777216xf32, #tpu.memory_space<hbm>> -> memref<16384xf32, #tpu.memory_space<hbm>>
    %dma_start3A_125 = tpu.memref_slice %arg3[%add3A_123] : memref<16777216xf32, #tpu.memory_space<hbm>> -> memref<16384xf32, #tpu.memory_space<hbm>>
    tpu.enqueue_dma source(%arg4 : memref<16384xf32, #tpu.memory_space<vmem>>) target(%dma_start3A_125 : memref<16384xf32, #tpu.memory_space<hbm>>) target_semaphore(%arg8 : memref<!tpu.dma_semaphore, #tpu.memory_space<semaphore_mem>>)
    %add3A_126 = arith.constant 360448 : i32
    %add3A_127 = arith.addi %mul3A_37, %add3A_126 : i32
    %dma_start3A_128 = tpu.memref_slice %arg3[%add3A_127] : memref<16777216xf32, #tpu.memory_space<hbm>> -> memref<16384xf32, #tpu.memory_space<hbm>>
    %dma_start3A_129 = tpu.memref_slice %arg3[%add3A_127] : memref<16777216xf32, #tpu.memory_space<hbm>> -> memref<16384xf32, #tpu.memory_space<hbm>>
    tpu.enqueue_dma source(%arg4 : memref<16384xf32, #tpu.memory_space<vmem>>) target(%dma_start3A_129 : memref<16384xf32, #tpu.memory_space<hbm>>) target_semaphore(%arg8 : memref<!tpu.dma_semaphore, #tpu.memory_space<semaphore_mem>>)
    %add3A_130 = arith.constant 376832 : i32
    %add3A_131 = arith.addi %mul3A_37, %add3A_130 : i32
    %dma_start3A_132 = tpu.memref_slice %arg3[%add3A_131] : memref<16777216xf32, #tpu.memory_space<hbm>> -> memref<16384xf32, #tpu.memory_space<hbm>>
    %dma_start3A_133 = tpu.memref_slice %arg3[%add3A_131] : memref<16777216xf32, #tpu.memory_space<hbm>> -> memref<16384xf32, #tpu.memory_space<hbm>>
    tpu.enqueue_dma source(%arg4 : memref<16384xf32, #tpu.memory_space<vmem>>) target(%dma_start3A_133 : memref<16384xf32, #tpu.memory_space<hbm>>) target_semaphore(%arg8 : memref<!tpu.dma_semaphore, #tpu.memory_space<semaphore_mem>>)
    %add3A_134 = arith.constant 393216 : i32
    %add3A_135 = arith.addi %mul3A_37, %add3A_134 : i32
    %dma_start3A_136 = tpu.memref_slice %arg3[%add3A_135] : memref<16777216xf32, #tpu.memory_space<hbm>> -> memref<16384xf32, #tpu.memory_space<hbm>>
    %dma_start3A_137 = tpu.memref_slice %arg3[%add3A_135] : memref<16777216xf32, #tpu.memory_space<hbm>> -> memref<16384xf32, #tpu.memory_space<hbm>>
    tpu.enqueue_dma source(%arg4 : memref<16384xf32, #tpu.memory_space<vmem>>) target(%dma_start3A_137 : memref<16384xf32, #tpu.memory_space<hbm>>) target_semaphore(%arg8 : memref<!tpu.dma_semaphore, #tpu.memory_space<semaphore_mem>>)
    %add3A_138 = arith.constant 409600 : i32
    %add3A_139 = arith.addi %mul3A_37, %add3A_138 : i32
    %dma_start3A_140 = tpu.memref_slice %arg3[%add3A_139] : memref<16777216xf32, #tpu.memory_space<hbm>> -> memref<16384xf32, #tpu.memory_space<hbm>>
    %dma_start3A_141 = tpu.memref_slice %arg3[%add3A_139] : memref<16777216xf32, #tpu.memory_space<hbm>> -> memref<16384xf32, #tpu.memory_space<hbm>>
    tpu.enqueue_dma source(%arg4 : memref<16384xf32, #tpu.memory_space<vmem>>) target(%dma_start3A_141 : memref<16384xf32, #tpu.memory_space<hbm>>) target_semaphore(%arg8 : memref<!tpu.dma_semaphore, #tpu.memory_space<semaphore_mem>>)
    %add3A_142 = arith.constant 425984 : i32
    %add3A_143 = arith.addi %mul3A_37, %add3A_142 : i32
    %dma_start3A_144 = tpu.memref_slice %arg3[%add3A_143] : memref<16777216xf32, #tpu.memory_space<hbm>> -> memref<16384xf32, #tpu.memory_space<hbm>>
    %dma_start3A_145 = tpu.memref_slice %arg3[%add3A_143] : memref<16777216xf32, #tpu.memory_space<hbm>> -> memref<16384xf32, #tpu.memory_space<hbm>>
    tpu.enqueue_dma source(%arg4 : memref<16384xf32, #tpu.memory_space<vmem>>) target(%dma_start3A_145 : memref<16384xf32, #tpu.memory_space<hbm>>) target_semaphore(%arg8 : memref<!tpu.dma_semaphore, #tpu.memory_space<semaphore_mem>>)
    %add3A_146 = arith.constant 442368 : i32
    %add3A_147 = arith.addi %mul3A_37, %add3A_146 : i32
    %dma_start3A_148 = tpu.memref_slice %arg3[%add3A_147] : memref<16777216xf32, #tpu.memory_space<hbm>> -> memref<16384xf32, #tpu.memory_space<hbm>>
    %dma_start3A_149 = tpu.memref_slice %arg3[%add3A_147] : memref<16777216xf32, #tpu.memory_space<hbm>> -> memref<16384xf32, #tpu.memory_space<hbm>>
    tpu.enqueue_dma source(%arg4 : memref<16384xf32, #tpu.memory_space<vmem>>) target(%dma_start3A_149 : memref<16384xf32, #tpu.memory_space<hbm>>) target_semaphore(%arg8 : memref<!tpu.dma_semaphore, #tpu.memory_space<semaphore_mem>>)
    %add3A_150 = arith.constant 458752 : i32
    %add3A_151 = arith.addi %mul3A_37, %add3A_150 : i32
    %dma_start3A_152 = tpu.memref_slice %arg3[%add3A_151] : memref<16777216xf32, #tpu.memory_space<hbm>> -> memref<16384xf32, #tpu.memory_space<hbm>>
    %dma_start3A_153 = tpu.memref_slice %arg3[%add3A_151] : memref<16777216xf32, #tpu.memory_space<hbm>> -> memref<16384xf32, #tpu.memory_space<hbm>>
    tpu.enqueue_dma source(%arg4 : memref<16384xf32, #tpu.memory_space<vmem>>) target(%dma_start3A_153 : memref<16384xf32, #tpu.memory_space<hbm>>) target_semaphore(%arg8 : memref<!tpu.dma_semaphore, #tpu.memory_space<semaphore_mem>>)
    %add3A_154 = arith.constant 475136 : i32
    %add3A_155 = arith.addi %mul3A_37, %add3A_154 : i32
    %dma_start3A_156 = tpu.memref_slice %arg3[%add3A_155] : memref<16777216xf32, #tpu.memory_space<hbm>> -> memref<16384xf32, #tpu.memory_space<hbm>>
    %dma_start3A_157 = tpu.memref_slice %arg3[%add3A_155] : memref<16777216xf32, #tpu.memory_space<hbm>> -> memref<16384xf32, #tpu.memory_space<hbm>>
    tpu.enqueue_dma source(%arg4 : memref<16384xf32, #tpu.memory_space<vmem>>) target(%dma_start3A_157 : memref<16384xf32, #tpu.memory_space<hbm>>) target_semaphore(%arg8 : memref<!tpu.dma_semaphore, #tpu.memory_space<semaphore_mem>>)
    %add3A_158 = arith.constant 491520 : i32
    %add3A_159 = arith.addi %mul3A_37, %add3A_158 : i32
    %dma_start3A_160 = tpu.memref_slice %arg3[%add3A_159] : memref<16777216xf32, #tpu.memory_space<hbm>> -> memref<16384xf32, #tpu.memory_space<hbm>>
    %dma_start3A_161 = tpu.memref_slice %arg3[%add3A_159] : memref<16777216xf32, #tpu.memory_space<hbm>> -> memref<16384xf32, #tpu.memory_space<hbm>>
    tpu.enqueue_dma source(%arg4 : memref<16384xf32, #tpu.memory_space<vmem>>) target(%dma_start3A_161 : memref<16384xf32, #tpu.memory_space<hbm>>) target_semaphore(%arg8 : memref<!tpu.dma_semaphore, #tpu.memory_space<semaphore_mem>>)
    %add3A_162 = arith.constant 507904 : i32
    %add3A_163 = arith.addi %mul3A_37, %add3A_162 : i32
    %dma_start3A_164 = tpu.memref_slice %arg3[%add3A_163] : memref<16777216xf32, #tpu.memory_space<hbm>> -> memref<16384xf32, #tpu.memory_space<hbm>>
    %dma_start3A_165 = tpu.memref_slice %arg3[%add3A_163] : memref<16777216xf32, #tpu.memory_space<hbm>> -> memref<16384xf32, #tpu.memory_space<hbm>>
    tpu.enqueue_dma source(%arg4 : memref<16384xf32, #tpu.memory_space<vmem>>) target(%dma_start3A_165 : memref<16384xf32, #tpu.memory_space<hbm>>) target_semaphore(%arg8 : memref<!tpu.dma_semaphore, #tpu.memory_space<semaphore_mem>>)
    %dma_wait3A = tpu.memref_slice %arg3[%add3A_39] : memref<16777216xf32, #tpu.memory_space<hbm>> -> memref<16384xf32, #tpu.memory_space<hbm>>
    %dma_wait3A_166 = tpu.memref_slice %arg3[%add3A_39] : memref<16777216xf32, #tpu.memory_space<hbm>> -> memref<16384xf32, #tpu.memory_space<hbm>>
    tpu.wait_dma2 semaphore(%arg8 : memref<!tpu.dma_semaphore, #tpu.memory_space<semaphore_mem>>) src(%arg4 : memref<16384xf32, #tpu.memory_space<vmem>>) dst(%dma_wait3A_166 : memref<16384xf32, #tpu.memory_space<hbm>>)
    %dma_wait3A_167 = tpu.memref_slice %arg3[%add3A_43] : memref<16777216xf32, #tpu.memory_space<hbm>> -> memref<16384xf32, #tpu.memory_space<hbm>>
    %dma_wait3A_168 = tpu.memref_slice %arg3[%add3A_43] : memref<16777216xf32, #tpu.memory_space<hbm>> -> memref<16384xf32, #tpu.memory_space<hbm>>
    tpu.wait_dma2 semaphore(%arg8 : memref<!tpu.dma_semaphore, #tpu.memory_space<semaphore_mem>>) src(%arg4 : memref<16384xf32, #tpu.memory_space<vmem>>) dst(%dma_wait3A_168 : memref<16384xf32, #tpu.memory_space<hbm>>)
    %dma_wait3A_169 = tpu.memref_slice %arg3[%add3A_47] : memref<16777216xf32, #tpu.memory_space<hbm>> -> memref<16384xf32, #tpu.memory_space<hbm>>
    %dma_wait3A_170 = tpu.memref_slice %arg3[%add3A_47] : memref<16777216xf32, #tpu.memory_space<hbm>> -> memref<16384xf32, #tpu.memory_space<hbm>>
    tpu.wait_dma2 semaphore(%arg8 : memref<!tpu.dma_semaphore, #tpu.memory_space<semaphore_mem>>) src(%arg4 : memref<16384xf32, #tpu.memory_space<vmem>>) dst(%dma_wait3A_170 : memref<16384xf32, #tpu.memory_space<hbm>>)
    %dma_wait3A_171 = tpu.memref_slice %arg3[%add3A_51] : memref<16777216xf32, #tpu.memory_space<hbm>> -> memref<16384xf32, #tpu.memory_space<hbm>>
    %dma_wait3A_172 = tpu.memref_slice %arg3[%add3A_51] : memref<16777216xf32, #tpu.memory_space<hbm>> -> memref<16384xf32, #tpu.memory_space<hbm>>
    tpu.wait_dma2 semaphore(%arg8 : memref<!tpu.dma_semaphore, #tpu.memory_space<semaphore_mem>>) src(%arg4 : memref<16384xf32, #tpu.memory_space<vmem>>) dst(%dma_wait3A_172 : memref<16384xf32, #tpu.memory_space<hbm>>)
    %dma_wait3A_173 = tpu.memref_slice %arg3[%add3A_55] : memref<16777216xf32, #tpu.memory_space<hbm>> -> memref<16384xf32, #tpu.memory_space<hbm>>
    %dma_wait3A_174 = tpu.memref_slice %arg3[%add3A_55] : memref<16777216xf32, #tpu.memory_space<hbm>> -> memref<16384xf32, #tpu.memory_space<hbm>>
    tpu.wait_dma2 semaphore(%arg8 : memref<!tpu.dma_semaphore, #tpu.memory_space<semaphore_mem>>) src(%arg4 : memref<16384xf32, #tpu.memory_space<vmem>>) dst(%dma_wait3A_174 : memref<16384xf32, #tpu.memory_space<hbm>>)
    %dma_wait3A_175 = tpu.memref_slice %arg3[%add3A_59] : memref<16777216xf32, #tpu.memory_space<hbm>> -> memref<16384xf32, #tpu.memory_space<hbm>>
    %dma_wait3A_176 = tpu.memref_slice %arg3[%add3A_59] : memref<16777216xf32, #tpu.memory_space<hbm>> -> memref<16384xf32, #tpu.memory_space<hbm>>
    tpu.wait_dma2 semaphore(%arg8 : memref<!tpu.dma_semaphore, #tpu.memory_space<semaphore_mem>>) src(%arg4 : memref<16384xf32, #tpu.memory_space<vmem>>) dst(%dma_wait3A_176 : memref<16384xf32, #tpu.memory_space<hbm>>)
    %dma_wait3A_177 = tpu.memref_slice %arg3[%add3A_63] : memref<16777216xf32, #tpu.memory_space<hbm>> -> memref<16384xf32, #tpu.memory_space<hbm>>
    %dma_wait3A_178 = tpu.memref_slice %arg3[%add3A_63] : memref<16777216xf32, #tpu.memory_space<hbm>> -> memref<16384xf32, #tpu.memory_space<hbm>>
    tpu.wait_dma2 semaphore(%arg8 : memref<!tpu.dma_semaphore, #tpu.memory_space<semaphore_mem>>) src(%arg4 : memref<16384xf32, #tpu.memory_space<vmem>>) dst(%dma_wait3A_178 : memref<16384xf32, #tpu.memory_space<hbm>>)
    %dma_wait3A_179 = tpu.memref_slice %arg3[%add3A_67] : memref<16777216xf32, #tpu.memory_space<hbm>> -> memref<16384xf32, #tpu.memory_space<hbm>>
    %dma_wait3A_180 = tpu.memref_slice %arg3[%add3A_67] : memref<16777216xf32, #tpu.memory_space<hbm>> -> memref<16384xf32, #tpu.memory_space<hbm>>
    tpu.wait_dma2 semaphore(%arg8 : memref<!tpu.dma_semaphore, #tpu.memory_space<semaphore_mem>>) src(%arg4 : memref<16384xf32, #tpu.memory_space<vmem>>) dst(%dma_wait3A_180 : memref<16384xf32, #tpu.memory_space<hbm>>)
    %dma_wait3A_181 = tpu.memref_slice %arg3[%add3A_71] : memref<16777216xf32, #tpu.memory_space<hbm>> -> memref<16384xf32, #tpu.memory_space<hbm>>
    %dma_wait3A_182 = tpu.memref_slice %arg3[%add3A_71] : memref<16777216xf32, #tpu.memory_space<hbm>> -> memref<16384xf32, #tpu.memory_space<hbm>>
    tpu.wait_dma2 semaphore(%arg8 : memref<!tpu.dma_semaphore, #tpu.memory_space<semaphore_mem>>) src(%arg4 : memref<16384xf32, #tpu.memory_space<vmem>>) dst(%dma_wait3A_182 : memref<16384xf32, #tpu.memory_space<hbm>>)
    %dma_wait3A_183 = tpu.memref_slice %arg3[%add3A_75] : memref<16777216xf32, #tpu.memory_space<hbm>> -> memref<16384xf32, #tpu.memory_space<hbm>>
    %dma_wait3A_184 = tpu.memref_slice %arg3[%add3A_75] : memref<16777216xf32, #tpu.memory_space<hbm>> -> memref<16384xf32, #tpu.memory_space<hbm>>
    tpu.wait_dma2 semaphore(%arg8 : memref<!tpu.dma_semaphore, #tpu.memory_space<semaphore_mem>>) src(%arg4 : memref<16384xf32, #tpu.memory_space<vmem>>) dst(%dma_wait3A_184 : memref<16384xf32, #tpu.memory_space<hbm>>)
    %dma_wait3A_185 = tpu.memref_slice %arg3[%add3A_79] : memref<16777216xf32, #tpu.memory_space<hbm>> -> memref<16384xf32, #tpu.memory_space<hbm>>
    %dma_wait3A_186 = tpu.memref_slice %arg3[%add3A_79] : memref<16777216xf32, #tpu.memory_space<hbm>> -> memref<16384xf32, #tpu.memory_space<hbm>>
    tpu.wait_dma2 semaphore(%arg8 : memref<!tpu.dma_semaphore, #tpu.memory_space<semaphore_mem>>) src(%arg4 : memref<16384xf32, #tpu.memory_space<vmem>>) dst(%dma_wait3A_186 : memref<16384xf32, #tpu.memory_space<hbm>>)
    %dma_wait3A_187 = tpu.memref_slice %arg3[%add3A_83] : memref<16777216xf32, #tpu.memory_space<hbm>> -> memref<16384xf32, #tpu.memory_space<hbm>>
    %dma_wait3A_188 = tpu.memref_slice %arg3[%add3A_83] : memref<16777216xf32, #tpu.memory_space<hbm>> -> memref<16384xf32, #tpu.memory_space<hbm>>
    tpu.wait_dma2 semaphore(%arg8 : memref<!tpu.dma_semaphore, #tpu.memory_space<semaphore_mem>>) src(%arg4 : memref<16384xf32, #tpu.memory_space<vmem>>) dst(%dma_wait3A_188 : memref<16384xf32, #tpu.memory_space<hbm>>)
    %dma_wait3A_189 = tpu.memref_slice %arg3[%add3A_87] : memref<16777216xf32, #tpu.memory_space<hbm>> -> memref<16384xf32, #tpu.memory_space<hbm>>
    %dma_wait3A_190 = tpu.memref_slice %arg3[%add3A_87] : memref<16777216xf32, #tpu.memory_space<hbm>> -> memref<16384xf32, #tpu.memory_space<hbm>>
    tpu.wait_dma2 semaphore(%arg8 : memref<!tpu.dma_semaphore, #tpu.memory_space<semaphore_mem>>) src(%arg4 : memref<16384xf32, #tpu.memory_space<vmem>>) dst(%dma_wait3A_190 : memref<16384xf32, #tpu.memory_space<hbm>>)
    %dma_wait3A_191 = tpu.memref_slice %arg3[%add3A_91] : memref<16777216xf32, #tpu.memory_space<hbm>> -> memref<16384xf32, #tpu.memory_space<hbm>>
    %dma_wait3A_192 = tpu.memref_slice %arg3[%add3A_91] : memref<16777216xf32, #tpu.memory_space<hbm>> -> memref<16384xf32, #tpu.memory_space<hbm>>
    tpu.wait_dma2 semaphore(%arg8 : memref<!tpu.dma_semaphore, #tpu.memory_space<semaphore_mem>>) src(%arg4 : memref<16384xf32, #tpu.memory_space<vmem>>) dst(%dma_wait3A_192 : memref<16384xf32, #tpu.memory_space<hbm>>)
    %dma_wait3A_193 = tpu.memref_slice %arg3[%add3A_95] : memref<16777216xf32, #tpu.memory_space<hbm>> -> memref<16384xf32, #tpu.memory_space<hbm>>
    %dma_wait3A_194 = tpu.memref_slice %arg3[%add3A_95] : memref<16777216xf32, #tpu.memory_space<hbm>> -> memref<16384xf32, #tpu.memory_space<hbm>>
    tpu.wait_dma2 semaphore(%arg8 : memref<!tpu.dma_semaphore, #tpu.memory_space<semaphore_mem>>) src(%arg4 : memref<16384xf32, #tpu.memory_space<vmem>>) dst(%dma_wait3A_194 : memref<16384xf32, #tpu.memory_space<hbm>>)
    %dma_wait3A_195 = tpu.memref_slice %arg3[%add3A_99] : memref<16777216xf32, #tpu.memory_space<hbm>> -> memref<16384xf32, #tpu.memory_space<hbm>>
    %dma_wait3A_196 = tpu.memref_slice %arg3[%add3A_99] : memref<16777216xf32, #tpu.memory_space<hbm>> -> memref<16384xf32, #tpu.memory_space<hbm>>
    tpu.wait_dma2 semaphore(%arg8 : memref<!tpu.dma_semaphore, #tpu.memory_space<semaphore_mem>>) src(%arg4 : memref<16384xf32, #tpu.memory_space<vmem>>) dst(%dma_wait3A_196 : memref<16384xf32, #tpu.memory_space<hbm>>)
    %dma_wait3A_197 = tpu.memref_slice %arg3[%add3A_103] : memref<16777216xf32, #tpu.memory_space<hbm>> -> memref<16384xf32, #tpu.memory_space<hbm>>
    %dma_wait3A_198 = tpu.memref_slice %arg3[%add3A_103] : memref<16777216xf32, #tpu.memory_space<hbm>> -> memref<16384xf32, #tpu.memory_space<hbm>>
    tpu.wait_dma2 semaphore(%arg8 : memref<!tpu.dma_semaphore, #tpu.memory_space<semaphore_mem>>) src(%arg4 : memref<16384xf32, #tpu.memory_space<vmem>>) dst(%dma_wait3A_198 : memref<16384xf32, #tpu.memory_space<hbm>>)
    %dma_wait3A_199 = tpu.memref_slice %arg3[%add3A_107] : memref<16777216xf32, #tpu.memory_space<hbm>> -> memref<16384xf32, #tpu.memory_space<hbm>>
    %dma_wait3A_200 = tpu.memref_slice %arg3[%add3A_107] : memref<16777216xf32, #tpu.memory_space<hbm>> -> memref<16384xf32, #tpu.memory_space<hbm>>
    tpu.wait_dma2 semaphore(%arg8 : memref<!tpu.dma_semaphore, #tpu.memory_space<semaphore_mem>>) src(%arg4 : memref<16384xf32, #tpu.memory_space<vmem>>) dst(%dma_wait3A_200 : memref<16384xf32, #tpu.memory_space<hbm>>)
    %dma_wait3A_201 = tpu.memref_slice %arg3[%add3A_111] : memref<16777216xf32, #tpu.memory_space<hbm>> -> memref<16384xf32, #tpu.memory_space<hbm>>
    %dma_wait3A_202 = tpu.memref_slice %arg3[%add3A_111] : memref<16777216xf32, #tpu.memory_space<hbm>> -> memref<16384xf32, #tpu.memory_space<hbm>>
    tpu.wait_dma2 semaphore(%arg8 : memref<!tpu.dma_semaphore, #tpu.memory_space<semaphore_mem>>) src(%arg4 : memref<16384xf32, #tpu.memory_space<vmem>>) dst(%dma_wait3A_202 : memref<16384xf32, #tpu.memory_space<hbm>>)
    %dma_wait3A_203 = tpu.memref_slice %arg3[%add3A_115] : memref<16777216xf32, #tpu.memory_space<hbm>> -> memref<16384xf32, #tpu.memory_space<hbm>>
    %dma_wait3A_204 = tpu.memref_slice %arg3[%add3A_115] : memref<16777216xf32, #tpu.memory_space<hbm>> -> memref<16384xf32, #tpu.memory_space<hbm>>
    tpu.wait_dma2 semaphore(%arg8 : memref<!tpu.dma_semaphore, #tpu.memory_space<semaphore_mem>>) src(%arg4 : memref<16384xf32, #tpu.memory_space<vmem>>) dst(%dma_wait3A_204 : memref<16384xf32, #tpu.memory_space<hbm>>)
    %dma_wait3A_205 = tpu.memref_slice %arg3[%add3A_119] : memref<16777216xf32, #tpu.memory_space<hbm>> -> memref<16384xf32, #tpu.memory_space<hbm>>
    %dma_wait3A_206 = tpu.memref_slice %arg3[%add3A_119] : memref<16777216xf32, #tpu.memory_space<hbm>> -> memref<16384xf32, #tpu.memory_space<hbm>>
    tpu.wait_dma2 semaphore(%arg8 : memref<!tpu.dma_semaphore, #tpu.memory_space<semaphore_mem>>) src(%arg4 : memref<16384xf32, #tpu.memory_space<vmem>>) dst(%dma_wait3A_206 : memref<16384xf32, #tpu.memory_space<hbm>>)
    %dma_wait3A_207 = tpu.memref_slice %arg3[%add3A_123] : memref<16777216xf32, #tpu.memory_space<hbm>> -> memref<16384xf32, #tpu.memory_space<hbm>>
    %dma_wait3A_208 = tpu.memref_slice %arg3[%add3A_123] : memref<16777216xf32, #tpu.memory_space<hbm>> -> memref<16384xf32, #tpu.memory_space<hbm>>
    tpu.wait_dma2 semaphore(%arg8 : memref<!tpu.dma_semaphore, #tpu.memory_space<semaphore_mem>>) src(%arg4 : memref<16384xf32, #tpu.memory_space<vmem>>) dst(%dma_wait3A_208 : memref<16384xf32, #tpu.memory_space<hbm>>)
    %dma_wait3A_209 = tpu.memref_slice %arg3[%add3A_127] : memref<16777216xf32, #tpu.memory_space<hbm>> -> memref<16384xf32, #tpu.memory_space<hbm>>
    %dma_wait3A_210 = tpu.memref_slice %arg3[%add3A_127] : memref<16777216xf32, #tpu.memory_space<hbm>> -> memref<16384xf32, #tpu.memory_space<hbm>>
    tpu.wait_dma2 semaphore(%arg8 : memref<!tpu.dma_semaphore, #tpu.memory_space<semaphore_mem>>) src(%arg4 : memref<16384xf32, #tpu.memory_space<vmem>>) dst(%dma_wait3A_210 : memref<16384xf32, #tpu.memory_space<hbm>>)
    %dma_wait3A_211 = tpu.memref_slice %arg3[%add3A_131] : memref<16777216xf32, #tpu.memory_space<hbm>> -> memref<16384xf32, #tpu.memory_space<hbm>>
    %dma_wait3A_212 = tpu.memref_slice %arg3[%add3A_131] : memref<16777216xf32, #tpu.memory_space<hbm>> -> memref<16384xf32, #tpu.memory_space<hbm>>
    tpu.wait_dma2 semaphore(%arg8 : memref<!tpu.dma_semaphore, #tpu.memory_space<semaphore_mem>>) src(%arg4 : memref<16384xf32, #tpu.memory_space<vmem>>) dst(%dma_wait3A_212 : memref<16384xf32, #tpu.memory_space<hbm>>)
    %dma_wait3A_213 = tpu.memref_slice %arg3[%add3A_135] : memref<16777216xf32, #tpu.memory_space<hbm>> -> memref<16384xf32, #tpu.memory_space<hbm>>
    %dma_wait3A_214 = tpu.memref_slice %arg3[%add3A_135] : memref<16777216xf32, #tpu.memory_space<hbm>> -> memref<16384xf32, #tpu.memory_space<hbm>>
    tpu.wait_dma2 semaphore(%arg8 : memref<!tpu.dma_semaphore, #tpu.memory_space<semaphore_mem>>) src(%arg4 : memref<16384xf32, #tpu.memory_space<vmem>>) dst(%dma_wait3A_214 : memref<16384xf32, #tpu.memory_space<hbm>>)
    %dma_wait3A_215 = tpu.memref_slice %arg3[%add3A_139] : memref<16777216xf32, #tpu.memory_space<hbm>> -> memref<16384xf32, #tpu.memory_space<hbm>>
    %dma_wait3A_216 = tpu.memref_slice %arg3[%add3A_139] : memref<16777216xf32, #tpu.memory_space<hbm>> -> memref<16384xf32, #tpu.memory_space<hbm>>
    tpu.wait_dma2 semaphore(%arg8 : memref<!tpu.dma_semaphore, #tpu.memory_space<semaphore_mem>>) src(%arg4 : memref<16384xf32, #tpu.memory_space<vmem>>) dst(%dma_wait3A_216 : memref<16384xf32, #tpu.memory_space<hbm>>)
    %dma_wait3A_217 = tpu.memref_slice %arg3[%add3A_143] : memref<16777216xf32, #tpu.memory_space<hbm>> -> memref<16384xf32, #tpu.memory_space<hbm>>
    %dma_wait3A_218 = tpu.memref_slice %arg3[%add3A_143] : memref<16777216xf32, #tpu.memory_space<hbm>> -> memref<16384xf32, #tpu.memory_space<hbm>>
    tpu.wait_dma2 semaphore(%arg8 : memref<!tpu.dma_semaphore, #tpu.memory_space<semaphore_mem>>) src(%arg4 : memref<16384xf32, #tpu.memory_space<vmem>>) dst(%dma_wait3A_218 : memref<16384xf32, #tpu.memory_space<hbm>>)
    %dma_wait3A_219 = tpu.memref_slice %arg3[%add3A_147] : memref<16777216xf32, #tpu.memory_space<hbm>> -> memref<16384xf32, #tpu.memory_space<hbm>>
    %dma_wait3A_220 = tpu.memref_slice %arg3[%add3A_147] : memref<16777216xf32, #tpu.memory_space<hbm>> -> memref<16384xf32, #tpu.memory_space<hbm>>
    tpu.wait_dma2 semaphore(%arg8 : memref<!tpu.dma_semaphore, #tpu.memory_space<semaphore_mem>>) src(%arg4 : memref<16384xf32, #tpu.memory_space<vmem>>) dst(%dma_wait3A_220 : memref<16384xf32, #tpu.memory_space<hbm>>)
    %dma_wait3A_221 = tpu.memref_slice %arg3[%add3A_151] : memref<16777216xf32, #tpu.memory_space<hbm>> -> memref<16384xf32, #tpu.memory_space<hbm>>
    %dma_wait3A_222 = tpu.memref_slice %arg3[%add3A_151] : memref<16777216xf32, #tpu.memory_space<hbm>> -> memref<16384xf32, #tpu.memory_space<hbm>>
    tpu.wait_dma2 semaphore(%arg8 : memref<!tpu.dma_semaphore, #tpu.memory_space<semaphore_mem>>) src(%arg4 : memref<16384xf32, #tpu.memory_space<vmem>>) dst(%dma_wait3A_222 : memref<16384xf32, #tpu.memory_space<hbm>>)
    %dma_wait3A_223 = tpu.memref_slice %arg3[%add3A_155] : memref<16777216xf32, #tpu.memory_space<hbm>> -> memref<16384xf32, #tpu.memory_space<hbm>>
    %dma_wait3A_224 = tpu.memref_slice %arg3[%add3A_155] : memref<16777216xf32, #tpu.memory_space<hbm>> -> memref<16384xf32, #tpu.memory_space<hbm>>
    tpu.wait_dma2 semaphore(%arg8 : memref<!tpu.dma_semaphore, #tpu.memory_space<semaphore_mem>>) src(%arg4 : memref<16384xf32, #tpu.memory_space<vmem>>) dst(%dma_wait3A_224 : memref<16384xf32, #tpu.memory_space<hbm>>)
    %dma_wait3A_225 = tpu.memref_slice %arg3[%add3A_159] : memref<16777216xf32, #tpu.memory_space<hbm>> -> memref<16384xf32, #tpu.memory_space<hbm>>
    %dma_wait3A_226 = tpu.memref_slice %arg3[%add3A_159] : memref<16777216xf32, #tpu.memory_space<hbm>> -> memref<16384xf32, #tpu.memory_space<hbm>>
    tpu.wait_dma2 semaphore(%arg8 : memref<!tpu.dma_semaphore, #tpu.memory_space<semaphore_mem>>) src(%arg4 : memref<16384xf32, #tpu.memory_space<vmem>>) dst(%dma_wait3A_226 : memref<16384xf32, #tpu.memory_space<hbm>>)
    %dma_wait3A_227 = tpu.memref_slice %arg3[%add3A_163] : memref<16777216xf32, #tpu.memory_space<hbm>> -> memref<16384xf32, #tpu.memory_space<hbm>>
    %dma_wait3A_228 = tpu.memref_slice %arg3[%add3A_163] : memref<16777216xf32, #tpu.memory_space<hbm>> -> memref<16384xf32, #tpu.memory_space<hbm>>
    tpu.wait_dma2 semaphore(%arg8 : memref<!tpu.dma_semaphore, #tpu.memory_space<semaphore_mem>>) src(%arg4 : memref<16384xf32, #tpu.memory_space<vmem>>) dst(%dma_wait3A_228 : memref<16384xf32, #tpu.memory_space<hbm>>)
    %barrier3A = arith.constant 0 : index
    tpu.barrier barrier_id(%barrier3A)
    %dma_wait3A_229 = tpu.memref_slice %arg2[%multiple_of3A] : memref<2080000xi32, #tpu.memory_space<hbm>> -> memref<32256xi32, #tpu.memory_space<hbm>>
    %dma_wait3A_230 = tpu.memref_slice %arg2[%multiple_of3A] : memref<2080000xi32, #tpu.memory_space<hbm>> -> memref<32256xi32, #tpu.memory_space<hbm>>
    tpu.wait_dma2 semaphore(%arg9 : memref<!tpu.dma_semaphore, #tpu.memory_space<semaphore_mem>>) src(%dma_wait3A_230 : memref<32256xi32, #tpu.memory_space<hbm>>) dst(%arg5 : memref<32256xi32, #tpu.memory_space<vmem>>)
    %add3A_231 = arith.constant 32256 : i32
    %add3A_232 = arith.addi %multiple_of3A, %add3A_231 : i32
    "tpu.region"() ({
      %run_scoped3A = tpu.sem_alloc : memref<!tpu.dma_semaphore, #tpu.memory_space<semaphore_mem>>
      %dma_start3A_233 = tpu.memref_slice %arg2[%add3A_232] : memref<2080000xi32, #tpu.memory_space<hbm>> -> memref<32256xi32, #tpu.memory_space<hbm>>
      %dma_start3A_234 = tpu.memref_slice %arg2[%add3A_232] : memref<2080000xi32, #tpu.memory_space<hbm>> -> memref<32256xi32, #tpu.memory_space<hbm>>
      tpu.enqueue_dma source(%dma_start3A_234 : memref<32256xi32, #tpu.memory_space<hbm>>) target(%arg6 : memref<32256xi32, #tpu.memory_space<vmem>>) target_semaphore(%run_scoped3A : memref<!tpu.dma_semaphore, #tpu.memory_space<semaphore_mem>>)
      %dma_wait3A_235 = tpu.memref_slice %arg2[%add3A_232] : memref<2080000xi32, #tpu.memory_space<hbm>> -> memref<32256xi32, #tpu.memory_space<hbm>>
      %dma_wait3A_236 = tpu.memref_slice %arg2[%add3A_232] : memref<2080000xi32, #tpu.memory_space<hbm>> -> memref<32256xi32, #tpu.memory_space<hbm>>
      tpu.wait_dma2 semaphore(%run_scoped3A : memref<!tpu.dma_semaphore, #tpu.memory_space<semaphore_mem>>) src(%dma_wait3A_236 : memref<32256xi32, #tpu.memory_space<hbm>>) dst(%arg6 : memref<32256xi32, #tpu.memory_space<vmem>>)
      tpu.yield
    }) : () -> ()
    return
  }
}

module attributes {stable_mosaic.version = 14 : i64} {
  func.func @_p2_body(%arg0: i32, %arg1: memref<1x128xf32, #tpu.memory_space<vmem>>, %arg2: memref<5x125x3200xf32, #tpu.memory_space<vmem>>, %arg3: memref<130x3200xi32, #tpu.memory_space<vmem>>) attributes {dimension_semantics = [#tpu.dimension_semantics<arbitrary>], iteration_bounds = array<i64: 5>, scalar_prefetch = 0 : i64, scratch_operands = 0 : i64, tpu.core_type = #tpu.core_type<tc>, window_params = [{pipeline_mode = #tpu.pipeline_mode<synchronous>, transform_indices = @transform_0, window_bounds = array<i64: 1, 128>}, {transform_indices = @transform_1, window_bounds = array<i64: 5, 125, 3200>}, {transform_indices = @transform_2, window_bounds = array<i64: 130, 3200>}]} {
    %get3A = arith.constant 0 : index
    %get3A_0 = arith.constant 0 : index
    %get3A_1 = vector.load %arg1[%get3A, %get3A_0] : memref<1x128xf32, #tpu.memory_space<vmem>>, vector<1x1xf32>
    %get3A_2 = vector.extract %get3A_1[0, 0] : f32 from vector<1x1xf32>
    %mul3A = arith.constant 1.001000e+00 : f32
    %mul3A_3 = arith.mulf %get3A_2, %mul3A : f32
    %get3A_4 = arith.constant 0 : index
    %get3A_5 = arith.constant 0 : index
    %get3A_6 = arith.constant 0 : index
    %get3A_7 = vector.load %arg2[%get3A_4, %get3A_5, %get3A_6] : memref<5x125x3200xf32, #tpu.memory_space<vmem>>, vector<1x125x3200xf32>
    %get3A_8 = vector.shape_cast %get3A_7 : vector<1x125x3200xf32> to vector<125x3200xf32>
    %get3A_9 = arith.constant 1 : index
    %get3A_10 = arith.constant 0 : index
    %get3A_11 = arith.constant 0 : index
    %get3A_12 = vector.load %arg2[%get3A_9, %get3A_10, %get3A_11] : memref<5x125x3200xf32, #tpu.memory_space<vmem>>, vector<1x125x3200xf32>
    %get3A_13 = vector.shape_cast %get3A_12 : vector<1x125x3200xf32> to vector<125x3200xf32>
    %get3A_14 = arith.constant 2 : index
    %get3A_15 = arith.constant 0 : index
    %get3A_16 = arith.constant 0 : index
    %get3A_17 = vector.load %arg2[%get3A_14, %get3A_15, %get3A_16] : memref<5x125x3200xf32, #tpu.memory_space<vmem>>, vector<1x125x3200xf32>
    %get3A_18 = vector.shape_cast %get3A_17 : vector<1x125x3200xf32> to vector<125x3200xf32>
    %get3A_19 = arith.constant 4 : index
    %get3A_20 = arith.constant 0 : index
    %get3A_21 = arith.constant 0 : index
    %get3A_22 = vector.load %arg2[%get3A_19, %get3A_20, %get3A_21] : memref<5x125x3200xf32, #tpu.memory_space<vmem>>, vector<1x125x3200xf32>
    %get3A_23 = vector.shape_cast %get3A_22 : vector<1x125x3200xf32> to vector<125x3200xf32>
    %div3A = vector.broadcast %mul3A_3 : f32 to vector<125x3200xf32>
    %div3A_24 = arith.divf %get3A_18, %div3A : vector<125x3200xf32>
    %mul3A_25 = arith.constant 1.600000e+01 : f32
    %mul3A_26 = vector.broadcast %mul3A_25 : f32 to vector<125x3200xf32>
    %mul3A_27 = arith.mulf %div3A_24, %mul3A_26 : vector<125x3200xf32>
    %convert_element_type3A = arith.fptosi %mul3A_27 : vector<125x3200xf32> to vector<125x3200xi32>
    %convert_element_type3A_28 = arith.fptosi %get3A_8 : vector<125x3200xf32> to vector<125x3200xi32>
    %convert_element_type3A_29 = arith.fptosi %get3A_13 : vector<125x3200xf32> to vector<125x3200xi32>
    %mul3A_30 = arith.constant 512 : i32
    %mul3A_31 = vector.broadcast %mul3A_30 : i32 to vector<125x3200xi32>
    %mul3A_32 = arith.muli %mul3A_31, %convert_element_type3A_29 : vector<125x3200xi32>
    %add3A = arith.addi %convert_element_type3A_28, %mul3A_32 : vector<125x3200xi32>
    %mul3A_33 = arith.constant 262144 : i32
    %mul3A_34 = vector.broadcast %mul3A_33 : i32 to vector<125x3200xi32>
    %mul3A_35 = arith.muli %mul3A_34, %convert_element_type3A : vector<125x3200xi32>
    %add3A_36 = arith.addi %add3A, %mul3A_35 : vector<125x3200xi32>
    %convert_element_type3A_37 = arith.fptosi %get3A_23 : vector<125x3200xf32> to vector<125x3200xi32>
    %mul3A_38 = arith.constant 4194304 : i32
    %mul3A_39 = vector.broadcast %mul3A_38 : i32 to vector<125x3200xi32>
    %mul3A_40 = arith.muli %mul3A_39, %convert_element_type3A_37 : vector<125x3200xi32>
    %add3A_41 = arith.addi %add3A_36, %mul3A_40 : vector<125x3200xi32>
    %swap3A = arith.constant 0 : index
    %swap3A_42 = arith.constant 0 : index
    %swap3A_43 = vector.load %arg3[%swap3A, %swap3A_42] : memref<130x3200xi32, #tpu.memory_space<vmem>>, vector<125x3200xi32>
    tpu.vector_store %arg3[%swap3A, %swap3A_42], %add3A_41 {strides = array<i32>} : memref<130x3200xi32, #tpu.memory_space<vmem>>, vector<125x3200xi32>,
    %slice3A = vector.extract_strided_slice %add3A_41 {offsets = [0, 0], sizes = [5, 3200], strides = [1, 1]} : vector<125x3200xi32> to vector<5x3200xi32>
    %swap3A_44 = arith.constant 125 : index
    %swap3A_45 = arith.constant 0 : index
    %swap3A_46 = vector.load %arg3[%swap3A_44, %swap3A_45] : memref<130x3200xi32, #tpu.memory_space<vmem>>, vector<5x3200xi32>
    tpu.vector_store %arg3[%swap3A_44, %swap3A_45], %slice3A {strides = array<i32>} : memref<130x3200xi32, #tpu.memory_space<vmem>>, vector<5x3200xi32>,
    return
  }
  func.func @transform_0(%arg0: i32) -> (i32, i32) {
    %c0_i32 = arith.constant 0 : i32
    %c0_i32_0 = arith.constant 0 : i32
    %c0_i32_1 = arith.constant 0 : i32
    return %c0_i32, %c0_i32_0 : i32, i32
  }
  func.func @transform_1(%arg0: i32) -> (i32, i32, i32) {
    %c0_i32 = arith.constant 0 : i32
    %c0_i32_0 = arith.constant 0 : i32
    %c0_i32_1 = arith.constant 0 : i32
    return %c0_i32, %c0_i32_0, %arg0 : i32, i32, i32
  }
  func.func @transform_2(%arg0: i32) -> (i32, i32) {
    %c0_i32 = arith.constant 0 : i32
    %c0_i32_0 = arith.constant 0 : i32
    return %c0_i32, %arg0 : i32, i32
  }
}

module attributes {stable_mosaic.version = 14 : i64} {
  func.func @_p1_body(%arg0: i32, %arg1: memref<5x125x3200xf32, #tpu.memory_space<vmem>>, %arg2: memref<1x128xf32, #tpu.memory_space<vmem>>, %arg3: memref<1x128xi32, #tpu.memory_space<vmem>>) attributes {dimension_semantics = [#tpu.dimension_semantics<arbitrary>], iteration_bounds = array<i64: 5>, scalar_prefetch = 0 : i64, scratch_operands = 0 : i64, tpu.core_type = #tpu.core_type<tc>, window_params = [{transform_indices = @transform_0, window_bounds = array<i64: 5, 125, 3200>}, {pipeline_mode = #tpu.pipeline_mode<synchronous>, transform_indices = @transform_1, window_bounds = array<i64: 1, 128>}, {pipeline_mode = #tpu.pipeline_mode<synchronous>, transform_indices = @transform_2, window_bounds = array<i64: 1, 128>}]} {
    %eq3A = arith.constant 0 : i32
    %eq3A_0 = arith.cmpi eq, %arg0, %eq3A : i32
    %convert_element_type3A = arith.extui %eq3A_0 : i1 to i32
    %cond3A = arith.constant 0 : i32
    %cond3A_1 = arith.cmpi ne, %convert_element_type3A, %cond3A : i32
    scf.if %cond3A_1 {
      %broadcast_in_dim3A_197 = arith.constant 0xFF800000 : f32
      %broadcast_in_dim3A_198 = vector.broadcast %broadcast_in_dim3A_197 : f32 to vector<1x128xf32>
      %swap3A_199 = arith.constant 0 : index
      %swap3A_200 = arith.constant 0 : index
      %swap3A_201 = vector.load %arg2[%swap3A_199, %swap3A_200] : memref<1x128xf32, #tpu.memory_space<vmem>>, vector<1x128xf32>
      tpu.vector_store %arg2[%swap3A_199, %swap3A_200], %broadcast_in_dim3A_198 {strides = array<i32>} : memref<1x128xf32, #tpu.memory_space<vmem>>, vector<1x128xf32>,
      %broadcast_in_dim3A_202 = arith.constant 0 : i32
      %broadcast_in_dim3A_203 = vector.broadcast %broadcast_in_dim3A_202 : i32 to vector<1x128xi32>
      %swap3A_204 = arith.constant 0 : index
      %swap3A_205 = arith.constant 0 : index
      %swap3A_206 = vector.load %arg3[%swap3A_204, %swap3A_205] : memref<1x128xi32, #tpu.memory_space<vmem>>, vector<1x128xi32>
      tpu.vector_store %arg3[%swap3A_204, %swap3A_205], %broadcast_in_dim3A_203 {strides = array<i32>} : memref<1x128xi32, #tpu.memory_space<vmem>>, vector<1x128xi32>,
    } else {
    }
    %get3A = arith.constant 0 : index
    %get3A_2 = arith.constant 0 : index
    %get3A_3 = arith.constant 0 : index
    %get3A_4 = vector.load %arg1[%get3A, %get3A_2, %get3A_3] : memref<5x125x3200xf32, #tpu.memory_space<vmem>>, vector<1x125x3200xf32>
    %get3A_5 = vector.shape_cast %get3A_4 : vector<1x125x3200xf32> to vector<125x3200xf32>
    %convert_element_type3A_6 = arith.fptosi %get3A_5 : vector<125x3200xf32> to vector<125x3200xi32>
    %get3A_7 = arith.constant 1 : index
    %get3A_8 = arith.constant 0 : index
    %get3A_9 = arith.constant 0 : index
    %get3A_10 = vector.load %arg1[%get3A_7, %get3A_8, %get3A_9] : memref<5x125x3200xf32, #tpu.memory_space<vmem>>, vector<1x125x3200xf32>
    %get3A_11 = vector.shape_cast %get3A_10 : vector<1x125x3200xf32> to vector<125x3200xf32>
    %convert_element_type3A_12 = arith.fptosi %get3A_11 : vector<125x3200xf32> to vector<125x3200xi32>
    %get3A_13 = arith.constant 2 : index
    %get3A_14 = arith.constant 0 : index
    %get3A_15 = arith.constant 0 : index
    %get3A_16 = vector.load %arg1[%get3A_13, %get3A_14, %get3A_15] : memref<5x125x3200xf32, #tpu.memory_space<vmem>>, vector<1x125x3200xf32>
    %get3A_17 = vector.shape_cast %get3A_16 : vector<1x125x3200xf32> to vector<125x3200xf32>
    %iota3A = tpu.iota {dimensions = array<i32: 0>} : vector<125x3200xi32>
    %iota3A_18 = tpu.iota {dimensions = array<i32: 1>} : vector<125x3200xi32>
    %mul3A = arith.constant 16000 : i32
    %mul3A_19 = vector.broadcast %mul3A : i32 to vector<125x3200xi32>
    %mul3A_20 = arith.muli %iota3A, %mul3A_19 : vector<125x3200xi32>
    %mul3A_21 = arith.constant 3200 : i32
    %mul3A_22 = arith.muli %arg0, %mul3A_21 : i32
    %add3A = vector.broadcast %mul3A_22 : i32 to vector<125x3200xi32>
    %add3A_23 = arith.addi %mul3A_20, %add3A : vector<125x3200xi32>
    %add3A_24 = arith.addi %add3A_23, %iota3A_18 : vector<125x3200xi32>
    %ge3A = arith.constant 500000 : i32
    %ge3A_25 = vector.broadcast %ge3A : i32 to vector<125x3200xi32>
    %ge3A_26 = arith.cmpi sge, %add3A_24, %ge3A_25 : vector<125x3200xi32>
    %convert_element_type3A_27 = arith.extui %ge3A_26 : vector<125x3200xi1> to vector<125x3200xi32>
    %ge3A_28 = arith.constant 1000000 : i32
    %ge3A_29 = vector.broadcast %ge3A_28 : i32 to vector<125x3200xi32>
    %ge3A_30 = arith.cmpi sge, %add3A_24, %ge3A_29 : vector<125x3200xi32>
    %convert_element_type3A_31 = arith.extui %ge3A_30 : vector<125x3200xi1> to vector<125x3200xi32>
    %add3A_32 = arith.addi %convert_element_type3A_27, %convert_element_type3A_31 : vector<125x3200xi32>
    %ge3A_33 = arith.constant 1500000 : i32
    %ge3A_34 = vector.broadcast %ge3A_33 : i32 to vector<125x3200xi32>
    %ge3A_35 = arith.cmpi sge, %add3A_24, %ge3A_34 : vector<125x3200xi32>
    %convert_element_type3A_36 = arith.extui %ge3A_35 : vector<125x3200xi1> to vector<125x3200xi32>
    %add3A_37 = arith.addi %add3A_32, %convert_element_type3A_36 : vector<125x3200xi32>
    %reduce_max3A = vector.shape_cast %get3A_17 : vector<125x3200xf32> to vector<1x125x3200xf32>
    %reduce_max3A_38 = arith.constant dense<0xFF800000> : vector<1xf32>
    %reduce_max3A_39 = vector.multi_reduction <maximumf>, %reduce_max3A, %reduce_max3A_38 [1, 2] : vector<1x125x3200xf32> to vector<1xf32>
    %reduce_max3A_40 = vector.shape_cast %reduce_max3A_39 : vector<1xf32> to vector<1x1x1xf32>
    %reduce_max3A_41 = vector.extract %reduce_max3A_40[0, 0, 0] : f32 from vector<1x1x1xf32>
    %iota3A_42 = tpu.iota {dimensions = array<i32: 1>} : vector<1x128xi32>
    %get3A_43 = arith.constant 0 : index
    %get3A_44 = arith.constant 0 : index
    %get3A_45 = vector.load %arg2[%get3A_43, %get3A_44] : memref<1x128xf32, #tpu.memory_space<vmem>>, vector<1x128xf32>
    %eq3A_46 = arith.constant 0 : i32
    %eq3A_47 = vector.broadcast %eq3A_46 : i32 to vector<1x128xi32>
    %eq3A_48 = arith.cmpi eq, %iota3A_42, %eq3A_47 : vector<1x128xi32>
    %jit3A = arith.constant 0xFF800000 : f32
    %broadcast_in_dim3A = vector.broadcast %reduce_max3A_41 : f32 to vector<1x128xf32>
    %broadcast_in_dim3A_49 = vector.broadcast %jit3A : f32 to vector<1x128xf32>
    %select_n3A = arith.select %eq3A_48, %broadcast_in_dim3A, %broadcast_in_dim3A_49 : vector<1x128xi1>, vector<1x128xf32>
    %max3A = arith.maximumf %get3A_45, %select_n3A : vector<1x128xf32>
    %swap3A = arith.constant 0 : index
    %swap3A_50 = arith.constant 0 : index
    %swap3A_51 = vector.load %arg2[%swap3A, %swap3A_50] : memref<1x128xf32, #tpu.memory_space<vmem>>, vector<1x128xf32>
    tpu.vector_store %arg2[%swap3A, %swap3A_50], %max3A {strides = array<i32>} : memref<1x128xf32, #tpu.memory_space<vmem>>, vector<1x128xf32>,
    %get3A_52 = arith.constant 0 : index
    %get3A_53 = arith.constant 0 : index
    %get3A_54 = vector.load %arg3[%get3A_52, %get3A_53] : memref<1x128xi32, #tpu.memory_space<vmem>>, vector<1x128xi32>
    %eq3A_55 = arith.constant 0 : i32
    %eq3A_56 = vector.broadcast %eq3A_55 : i32 to vector<125x3200xi32>
    %eq3A_57 = arith.cmpi eq, %add3A_37, %eq3A_56 : vector<125x3200xi32>
    %jit3A_58 = arith.constant 0 : i32
    %broadcast_in_dim3A_59 = vector.broadcast %jit3A_58 : i32 to vector<125x3200xi32>
    %select_n3A_60 = arith.select %eq3A_57, %convert_element_type3A_6, %broadcast_in_dim3A_59 : vector<125x3200xi1>, vector<125x3200xi32>
    %reduce_sum3A = vector.shape_cast %select_n3A_60 : vector<125x3200xi32> to vector<1x125x3200xi32>
    %reduce_sum3A_61 = arith.constant dense<0> : vector<1xi32>
    %reduce_sum3A_62 = vector.multi_reduction <add>, %reduce_sum3A, %reduce_sum3A_61 [1, 2] : vector<1x125x3200xi32> to vector<1xi32>
    %reduce_sum3A_63 = vector.shape_cast %reduce_sum3A_62 : vector<1xi32> to vector<1x1x1xi32>
    %reduce_sum3A_64 = vector.extract %reduce_sum3A_63[0, 0, 0] : i32 from vector<1x1x1xi32>
    %jit3A_65 = arith.constant 0 : i32
    %broadcast_in_dim3A_66 = vector.broadcast %jit3A_65 : i32 to vector<125x3200xi32>
    %select_n3A_67 = arith.select %eq3A_57, %convert_element_type3A_12, %broadcast_in_dim3A_66 : vector<125x3200xi1>, vector<125x3200xi32>
    %reduce_sum3A_68 = vector.shape_cast %select_n3A_67 : vector<125x3200xi32> to vector<1x125x3200xi32>
    %reduce_sum3A_69 = arith.constant dense<0> : vector<1xi32>
    %reduce_sum3A_70 = vector.multi_reduction <add>, %reduce_sum3A_68, %reduce_sum3A_69 [1, 2] : vector<1x125x3200xi32> to vector<1xi32>
    %reduce_sum3A_71 = vector.shape_cast %reduce_sum3A_70 : vector<1xi32> to vector<1x1x1xi32>
    %reduce_sum3A_72 = vector.extract %reduce_sum3A_71[0, 0, 0] : i32 from vector<1x1x1xi32>
    %eq3A_73 = arith.constant 0 : i32
    %eq3A_74 = vector.broadcast %eq3A_73 : i32 to vector<1x128xi32>
    %eq3A_75 = arith.cmpi eq, %iota3A_42, %eq3A_74 : vector<1x128xi32>
    %jit3A_76 = arith.constant 0 : i32
    %broadcast_in_dim3A_77 = vector.broadcast %reduce_sum3A_64 : i32 to vector<1x128xi32>
    %broadcast_in_dim3A_78 = vector.broadcast %jit3A_76 : i32 to vector<1x128xi32>
    %select_n3A_79 = arith.select %eq3A_75, %broadcast_in_dim3A_77, %broadcast_in_dim3A_78 : vector<1x128xi1>, vector<1x128xi32>
    %add3A_80 = arith.addi %get3A_54, %select_n3A_79 : vector<1x128xi32>
    %eq3A_81 = arith.constant 4 : i32
    %eq3A_82 = vector.broadcast %eq3A_81 : i32 to vector<1x128xi32>
    %eq3A_83 = arith.cmpi eq, %iota3A_42, %eq3A_82 : vector<1x128xi32>
    %jit3A_84 = arith.constant 0 : i32
    %broadcast_in_dim3A_85 = vector.broadcast %reduce_sum3A_72 : i32 to vector<1x128xi32>
    %broadcast_in_dim3A_86 = vector.broadcast %jit3A_84 : i32 to vector<1x128xi32>
    %select_n3A_87 = arith.select %eq3A_83, %broadcast_in_dim3A_85, %broadcast_in_dim3A_86 : vector<1x128xi1>, vector<1x128xi32>
    %add3A_88 = arith.addi %add3A_80, %select_n3A_87 : vector<1x128xi32>
    %eq3A_89 = arith.constant 1 : i32
    %eq3A_90 = vector.broadcast %eq3A_89 : i32 to vector<125x3200xi32>
    %eq3A_91 = arith.cmpi eq, %add3A_37, %eq3A_90 : vector<125x3200xi32>
    %jit3A_92 = arith.constant 0 : i32
    %broadcast_in_dim3A_93 = vector.broadcast %jit3A_92 : i32 to vector<125x3200xi32>
    %select_n3A_94 = arith.select %eq3A_91, %convert_element_type3A_6, %broadcast_in_dim3A_93 : vector<125x3200xi1>, vector<125x3200xi32>
    %reduce_sum3A_95 = vector.shape_cast %select_n3A_94 : vector<125x3200xi32> to vector<1x125x3200xi32>
    %reduce_sum3A_96 = arith.constant dense<0> : vector<1xi32>
    %reduce_sum3A_97 = vector.multi_reduction <add>, %reduce_sum3A_95, %reduce_sum3A_96 [1, 2] : vector<1x125x3200xi32> to vector<1xi32>
    %reduce_sum3A_98 = vector.shape_cast %reduce_sum3A_97 : vector<1xi32> to vector<1x1x1xi32>
    %reduce_sum3A_99 = vector.extract %reduce_sum3A_98[0, 0, 0] : i32 from vector<1x1x1xi32>
    %jit3A_100 = arith.constant 0 : i32
    %broadcast_in_dim3A_101 = vector.broadcast %jit3A_100 : i32 to vector<125x3200xi32>
    %select_n3A_102 = arith.select %eq3A_91, %convert_element_type3A_12, %broadcast_in_dim3A_101 : vector<125x3200xi1>, vector<125x3200xi32>
    %reduce_sum3A_103 = vector.shape_cast %select_n3A_102 : vector<125x3200xi32> to vector<1x125x3200xi32>
    %reduce_sum3A_104 = arith.constant dense<0> : vector<1xi32>
    %reduce_sum3A_105 = vector.multi_reduction <add>, %reduce_sum3A_103, %reduce_sum3A_104 [1, 2] : vector<1x125x3200xi32> to vector<1xi32>
    %reduce_sum3A_106 = vector.shape_cast %reduce_sum3A_105 : vector<1xi32> to vector<1x1x1xi32>
    %reduce_sum3A_107 = vector.extract %reduce_sum3A_106[0, 0, 0] : i32 from vector<1x1x1xi32>
    %eq3A_108 = arith.constant 1 : i32
    %eq3A_109 = vector.broadcast %eq3A_108 : i32 to vector<1x128xi32>
    %eq3A_110 = arith.cmpi eq, %iota3A_42, %eq3A_109 : vector<1x128xi32>
    %jit3A_111 = arith.constant 0 : i32
    %broadcast_in_dim3A_112 = vector.broadcast %reduce_sum3A_99 : i32 to vector<1x128xi32>
    %broadcast_in_dim3A_113 = vector.broadcast %jit3A_111 : i32 to vector<1x128xi32>
    %select_n3A_114 = arith.select %eq3A_110, %broadcast_in_dim3A_112, %broadcast_in_dim3A_113 : vector<1x128xi1>, vector<1x128xi32>
    %add3A_115 = arith.addi %add3A_88, %select_n3A_114 : vector<1x128xi32>
    %eq3A_116 = arith.constant 5 : i32
    %eq3A_117 = vector.broadcast %eq3A_116 : i32 to vector<1x128xi32>
    %eq3A_118 = arith.cmpi eq, %iota3A_42, %eq3A_117 : vector<1x128xi32>
    %jit3A_119 = arith.constant 0 : i32
    %broadcast_in_dim3A_120 = vector.broadcast %reduce_sum3A_107 : i32 to vector<1x128xi32>
    %broadcast_in_dim3A_121 = vector.broadcast %jit3A_119 : i32 to vector<1x128xi32>
    %select_n3A_122 = arith.select %eq3A_118, %broadcast_in_dim3A_120, %broadcast_in_dim3A_121 : vector<1x128xi1>, vector<1x128xi32>
    %add3A_123 = arith.addi %add3A_115, %select_n3A_122 : vector<1x128xi32>
    %eq3A_124 = arith.constant 2 : i32
    %eq3A_125 = vector.broadcast %eq3A_124 : i32 to vector<125x3200xi32>
    %eq3A_126 = arith.cmpi eq, %add3A_37, %eq3A_125 : vector<125x3200xi32>
    %jit3A_127 = arith.constant 0 : i32
    %broadcast_in_dim3A_128 = vector.broadcast %jit3A_127 : i32 to vector<125x3200xi32>
    %select_n3A_129 = arith.select %eq3A_126, %convert_element_type3A_6, %broadcast_in_dim3A_128 : vector<125x3200xi1>, vector<125x3200xi32>
    %reduce_sum3A_130 = vector.shape_cast %select_n3A_129 : vector<125x3200xi32> to vector<1x125x3200xi32>
    %reduce_sum3A_131 = arith.constant dense<0> : vector<1xi32>
    %reduce_sum3A_132 = vector.multi_reduction <add>, %reduce_sum3A_130, %reduce_sum3A_131 [1, 2] : vector<1x125x3200xi32> to vector<1xi32>
    %reduce_sum3A_133 = vector.shape_cast %reduce_sum3A_132 : vector<1xi32> to vector<1x1x1xi32>
    %reduce_sum3A_134 = vector.extract %reduce_sum3A_133[0, 0, 0] : i32 from vector<1x1x1xi32>
    %jit3A_135 = arith.constant 0 : i32
    %broadcast_in_dim3A_136 = vector.broadcast %jit3A_135 : i32 to vector<125x3200xi32>
    %select_n3A_137 = arith.select %eq3A_126, %convert_element_type3A_12, %broadcast_in_dim3A_136 : vector<125x3200xi1>, vector<125x3200xi32>
    %reduce_sum3A_138 = vector.shape_cast %select_n3A_137 : vector<125x3200xi32> to vector<1x125x3200xi32>
    %reduce_sum3A_139 = arith.constant dense<0> : vector<1xi32>
    %reduce_sum3A_140 = vector.multi_reduction <add>, %reduce_sum3A_138, %reduce_sum3A_139 [1, 2] : vector<1x125x3200xi32> to vector<1xi32>
    %reduce_sum3A_141 = vector.shape_cast %reduce_sum3A_140 : vector<1xi32> to vector<1x1x1xi32>
    %reduce_sum3A_142 = vector.extract %reduce_sum3A_141[0, 0, 0] : i32 from vector<1x1x1xi32>
    %eq3A_143 = arith.constant 2 : i32
    %eq3A_144 = vector.broadcast %eq3A_143 : i32 to vector<1x128xi32>
    %eq3A_145 = arith.cmpi eq, %iota3A_42, %eq3A_144 : vector<1x128xi32>
    %jit3A_146 = arith.constant 0 : i32
    %broadcast_in_dim3A_147 = vector.broadcast %reduce_sum3A_134 : i32 to vector<1x128xi32>
    %broadcast_in_dim3A_148 = vector.broadcast %jit3A_146 : i32 to vector<1x128xi32>
    %select_n3A_149 = arith.select %eq3A_145, %broadcast_in_dim3A_147, %broadcast_in_dim3A_148 : vector<1x128xi1>, vector<1x128xi32>
    %add3A_150 = arith.addi %add3A_123, %select_n3A_149 : vector<1x128xi32>
    %eq3A_151 = arith.constant 6 : i32
    %eq3A_152 = vector.broadcast %eq3A_151 : i32 to vector<1x128xi32>
    %eq3A_153 = arith.cmpi eq, %iota3A_42, %eq3A_152 : vector<1x128xi32>
    %jit3A_154 = arith.constant 0 : i32
    %broadcast_in_dim3A_155 = vector.broadcast %reduce_sum3A_142 : i32 to vector<1x128xi32>
    %broadcast_in_dim3A_156 = vector.broadcast %jit3A_154 : i32 to vector<1x128xi32>
    %select_n3A_157 = arith.select %eq3A_153, %broadcast_in_dim3A_155, %broadcast_in_dim3A_156 : vector<1x128xi1>, vector<1x128xi32>
    %add3A_158 = arith.addi %add3A_150, %select_n3A_157 : vector<1x128xi32>
    %eq3A_159 = arith.constant 3 : i32
    %eq3A_160 = vector.broadcast %eq3A_159 : i32 to vector<125x3200xi32>
    %eq3A_161 = arith.cmpi eq, %add3A_37, %eq3A_160 : vector<125x3200xi32>
    %jit3A_162 = arith.constant 0 : i32
    %broadcast_in_dim3A_163 = vector.broadcast %jit3A_162 : i32 to vector<125x3200xi32>
    %select_n3A_164 = arith.select %eq3A_161, %convert_element_type3A_6, %broadcast_in_dim3A_163 : vector<125x3200xi1>, vector<125x3200xi32>
    %reduce_sum3A_165 = vector.shape_cast %select_n3A_164 : vector<125x3200xi32> to vector<1x125x3200xi32>
    %reduce_sum3A_166 = arith.constant dense<0> : vector<1xi32>
    %reduce_sum3A_167 = vector.multi_reduction <add>, %reduce_sum3A_165, %reduce_sum3A_166 [1, 2] : vector<1x125x3200xi32> to vector<1xi32>
    %reduce_sum3A_168 = vector.shape_cast %reduce_sum3A_167 : vector<1xi32> to vector<1x1x1xi32>
    %reduce_sum3A_169 = vector.extract %reduce_sum3A_168[0, 0, 0] : i32 from vector<1x1x1xi32>
    %jit3A_170 = arith.constant 0 : i32
    %broadcast_in_dim3A_171 = vector.broadcast %jit3A_170 : i32 to vector<125x3200xi32>
    %select_n3A_172 = arith.select %eq3A_161, %convert_element_type3A_12, %broadcast_in_dim3A_171 : vector<125x3200xi1>, vector<125x3200xi32>
    %reduce_sum3A_173 = vector.shape_cast %select_n3A_172 : vector<125x3200xi32> to vector<1x125x3200xi32>
    %reduce_sum3A_174 = arith.constant dense<0> : vector<1xi32>
    %reduce_sum3A_175 = vector.multi_reduction <add>, %reduce_sum3A_173, %reduce_sum3A_174 [1, 2] : vector<1x125x3200xi32> to vector<1xi32>
    %reduce_sum3A_176 = vector.shape_cast %reduce_sum3A_175 : vector<1xi32> to vector<1x1x1xi32>
    %reduce_sum3A_177 = vector.extract %reduce_sum3A_176[0, 0, 0] : i32 from vector<1x1x1xi32>
    %eq3A_178 = arith.constant 3 : i32
    %eq3A_179 = vector.broadcast %eq3A_178 : i32 to vector<1x128xi32>
    %eq3A_180 = arith.cmpi eq, %iota3A_42, %eq3A_179 : vector<1x128xi32>
    %jit3A_181 = arith.constant 0 : i32
    %broadcast_in_dim3A_182 = vector.broadcast %reduce_sum3A_169 : i32 to vector<1x128xi32>
    %broadcast_in_dim3A_183 = vector.broadcast %jit3A_181 : i32 to vector<1x128xi32>
    %select_n3A_184 = arith.select %eq3A_180, %broadcast_in_dim3A_182, %broadcast_in_dim3A_183 : vector<1x128xi1>, vector<1x128xi32>
    %add3A_185 = arith.addi %add3A_158, %select_n3A_184 : vector<1x128xi32>
    %eq3A_186 = arith.constant 7 : i32
    %eq3A_187 = vector.broadcast %eq3A_186 : i32 to vector<1x128xi32>
    %eq3A_188 = arith.cmpi eq, %iota3A_42, %eq3A_187 : vector<1x128xi32>
    %jit3A_189 = arith.constant 0 : i32
    %broadcast_in_dim3A_190 = vector.broadcast %reduce_sum3A_177 : i32 to vector<1x128xi32>
    %broadcast_in_dim3A_191 = vector.broadcast %jit3A_189 : i32 to vector<1x128xi32>
    %select_n3A_192 = arith.select %eq3A_188, %broadcast_in_dim3A_190, %broadcast_in_dim3A_191 : vector<1x128xi1>, vector<1x128xi32>
    %add3A_193 = arith.addi %add3A_185, %select_n3A_192 : vector<1x128xi32>
    %swap3A_194 = arith.constant 0 : index
    %swap3A_195 = arith.constant 0 : index
    %swap3A_196 = vector.load %arg3[%swap3A_194, %swap3A_195] : memref<1x128xi32, #tpu.memory_space<vmem>>, vector<1x128xi32>
    tpu.vector_store %arg3[%swap3A_194, %swap3A_195], %add3A_193 {strides = array<i32>} : memref<1x128xi32, #tpu.memory_space<vmem>>, vector<1x128xi32>,
    return
  }
  func.func @transform_0(%arg0: i32) -> (i32, i32, i32) {
    %c0_i32 = arith.constant 0 : i32
    %c0_i32_0 = arith.constant 0 : i32
    %c0_i32_1 = arith.constant 0 : i32
    return %c0_i32, %c0_i32_0, %arg0 : i32, i32, i32
  }
  func.func @transform_1(%arg0: i32) -> (i32, i32) {
    %c0_i32 = arith.constant 0 : i32
    %c0_i32_0 = arith.constant 0 : i32
    %c0_i32_1 = arith.constant 0 : i32
    return %c0_i32, %c0_i32_0 : i32, i32
  }
  func.func @transform_2(%arg0: i32) -> (i32, i32) {
    %c0_i32 = arith.constant 0 : i32
    %c0_i32_0 = arith.constant 0 : i32
    %c0_i32_1 = arith.constant 0 : i32
    return %c0_i32, %c0_i32_0 : i32, i32
  }
}

module attributes {stable_mosaic.version = 14 : i64} {
  func.func @_p4_body(%arg0: i32, %arg1: i32, %arg2: memref<1x1x512x512xf32, #tpu.memory_space<vmem>>, %arg3: memref<1x1x512x512xf32, #tpu.memory_space<vmem>>, %arg4: memref<1x512x512xf32, #tpu.memory_space<vmem>>, %arg5: memref<1x512x512xf32, #tpu.memory_space<vmem>>, %arg6: memref<1x1x16xi32, #tpu.memory_space<vmem>>) attributes {dimension_semantics = [#tpu.dimension_semantics<arbitrary>, #tpu.dimension_semantics<arbitrary>], iteration_bounds = array<i64: 4, 15>, scalar_prefetch = 0 : i64, scratch_operands = 0 : i64, tpu.core_type = #tpu.core_type<tc>, window_params = [{transform_indices = @transform_0, window_bounds = array<i64: 1, 1, 512, 512>}, {transform_indices = @transform_1, window_bounds = array<i64: 1, 1, 512, 512>}, {transform_indices = @transform_2, window_bounds = array<i64: 1, 512, 512>}, {transform_indices = @transform_3, window_bounds = array<i64: 1, 512, 512>}, {transform_indices = @transform_4, window_bounds = array<i64: 1, 1, 16>}]} {
    %get3A = arith.constant 0 : index
    %get3A_0 = arith.constant 0 : index
    %get3A_1 = arith.constant 0 : index
    %get3A_2 = arith.constant 0 : index
    %get3A_3 = vector.load %arg2[%get3A, %get3A_0, %get3A_1, %get3A_2] : memref<1x1x512x512xf32, #tpu.memory_space<vmem>>, vector<1x1x512x512xf32>
    %get3A_4 = vector.shape_cast %get3A_3 : vector<1x1x512x512xf32> to vector<512x512xf32>
    %mul3A = arith.constant 2.000000e+00 : f32
    %mul3A_5 = vector.broadcast %mul3A : f32 to vector<512x512xf32>
    %mul3A_6 = arith.mulf %mul3A_5, %get3A_4 : vector<512x512xf32>
    %get3A_7 = arith.constant 0 : index
    %get3A_8 = arith.constant 0 : index
    %get3A_9 = arith.constant 0 : index
    %get3A_10 = arith.constant 0 : index
    %get3A_11 = vector.load %arg3[%get3A_7, %get3A_8, %get3A_9, %get3A_10] : memref<1x1x512x512xf32, #tpu.memory_space<vmem>>, vector<1x1x512x512xf32>
    %get3A_12 = vector.shape_cast %get3A_11 : vector<1x1x512x512xf32> to vector<512x512xf32>
    %mul3A_13 = arith.constant 1.600000e+01 : f32
    %mul3A_14 = vector.broadcast %mul3A_13 : f32 to vector<512x512xf32>
    %mul3A_15 = arith.mulf %mul3A_14, %get3A_12 : vector<512x512xf32>
    %add3A = arith.addf %mul3A_6, %mul3A_15 : vector<512x512xf32>
    %sub3A = arith.constant 9.000000e+00 : f32
    %sub3A_16 = vector.broadcast %sub3A : f32 to vector<512x512xf32>
    %sub3A_17 = arith.subf %add3A, %sub3A_16 : vector<512x512xf32>
    %broadcast_in_dim3A = arith.constant 0.000000e+00 : f32
    %broadcast_in_dim3A_18 = vector.broadcast %broadcast_in_dim3A : f32 to vector<1x512xf32>
    %slice3A = vector.extract_strided_slice %sub3A_17 {offsets = [1, 0], sizes = [511, 512], strides = [1, 1]} : vector<512x512xf32> to vector<511x512xf32>
    %concatenate3A = tpu.concatenate %slice3A, %broadcast_in_dim3A_18 in 0 : vector<511x512xf32>, vector<1x512xf32> -> vector<512x512xf32>
    %add3A_19 = arith.addf %sub3A_17, %concatenate3A : vector<512x512xf32>
    %slice3A_20 = vector.extract_strided_slice %sub3A_17 {offsets = [0, 0], sizes = [511, 512], strides = [1, 1]} : vector<512x512xf32> to vector<511x512xf32>
    %concatenate3A_21 = tpu.concatenate %broadcast_in_dim3A_18, %slice3A_20 in 0 : vector<1x512xf32>, vector<511x512xf32> -> vector<512x512xf32>
    %add3A_22 = arith.addf %add3A_19, %concatenate3A_21 : vector<512x512xf32>
    %broadcast_in_dim3A_23 = arith.constant 0.000000e+00 : f32
    %broadcast_in_dim3A_24 = vector.broadcast %broadcast_in_dim3A_23 : f32 to vector<512x1xf32>
    %slice3A_25 = vector.extract_strided_slice %add3A_22 {offsets = [0, 1], sizes = [512, 511], strides = [1, 1]} : vector<512x512xf32> to vector<512x511xf32>
    %concatenate3A_26 = tpu.concatenate %slice3A_25, %broadcast_in_dim3A_24 in 1 : vector<512x511xf32>, vector<512x1xf32> -> vector<512x512xf32>
    %add3A_27 = arith.addf %add3A_22, %concatenate3A_26 : vector<512x512xf32>
    %slice3A_28 = vector.extract_strided_slice %add3A_22 {offsets = [0, 0], sizes = [512, 511], strides = [1, 1]} : vector<512x512xf32> to vector<512x511xf32>
    %concatenate3A_29 = tpu.concatenate %broadcast_in_dim3A_24, %slice3A_28 in 1 : vector<512x1xf32>, vector<512x511xf32> -> vector<512x512xf32>
    %add3A_30 = arith.addf %add3A_27, %concatenate3A_29 : vector<512x512xf32>
    %mul3A_31 = arith.constant 2.000000e+00 : f32
    %mul3A_32 = vector.broadcast %mul3A_31 : f32 to vector<512x512xf32>
    %mul3A_33 = arith.mulf %mul3A_32, %sub3A_17 : vector<512x512xf32>
    %sub3A_34 = arith.subf %add3A_30, %mul3A_33 : vector<512x512xf32>
    %gt3A = arith.constant 0.000000e+00 : f32
    %gt3A_35 = vector.broadcast %gt3A : f32 to vector<512x512xf32>
    %gt3A_36 = arith.cmpf ogt, %sub3A_34, %gt3A_35 : vector<512x512xf32>
    %convert_element_type3A = arith.extui %gt3A_36 : vector<512x512xi1> to vector<512x512xi32>
    %convert_element_type3A_37 = arith.sitofp %convert_element_type3A : vector<512x512xi32> to vector<512x512xf32>
    %broadcast_in_dim3A_38 = vector.shape_cast %convert_element_type3A_37 : vector<512x512xf32> to vector<1x512x512xf32>
    %eq3A = arith.constant 0 : i32
    %eq3A_39 = arith.cmpi eq, %arg1, %eq3A : i32
    %convert_element_type3A_40 = arith.extui %eq3A_39 : i1 to i32
    %cond3A = arith.constant 0 : i32
    %cond3A_41 = arith.cmpi ne, %convert_element_type3A_40, %cond3A : i32
    scf.if %cond3A_41 {
      %broadcast_in_dim3A_75 = arith.constant 0.000000e+00 : f32
      %broadcast_in_dim3A_76 = vector.broadcast %broadcast_in_dim3A_75 : f32 to vector<1x512x512xf32>
      %swap3A_77 = arith.constant 0 : index
      %swap3A_78 = arith.constant 0 : index
      %swap3A_79 = arith.constant 0 : index
      %swap3A_80 = vector.load %arg4[%swap3A_77, %swap3A_78, %swap3A_79] : memref<1x512x512xf32, #tpu.memory_space<vmem>>, vector<1x512x512xf32>
      tpu.vector_store %arg4[%swap3A_77, %swap3A_78, %swap3A_79], %broadcast_in_dim3A_76 {strides = array<i32>} : memref<1x512x512xf32, #tpu.memory_space<vmem>>, vector<1x512x512xf32>,
      %broadcast_in_dim3A_81 = arith.constant 0.000000e+00 : f32
      %broadcast_in_dim3A_82 = vector.broadcast %broadcast_in_dim3A_81 : f32 to vector<1x512x512xf32>
      %swap3A_83 = arith.constant 0 : index
      %swap3A_84 = arith.constant 0 : index
      %swap3A_85 = arith.constant 0 : index
      %swap3A_86 = vector.load %arg5[%swap3A_83, %swap3A_84, %swap3A_85] : memref<1x512x512xf32, #tpu.memory_space<vmem>>, vector<1x512x512xf32>
      tpu.vector_store %arg5[%swap3A_83, %swap3A_84, %swap3A_85], %broadcast_in_dim3A_82 {strides = array<i32>} : memref<1x512x512xf32, #tpu.memory_space<vmem>>, vector<1x512x512xf32>,
      %broadcast_in_dim3A_87 = arith.constant 0 : i32
      %broadcast_in_dim3A_88 = vector.broadcast %broadcast_in_dim3A_87 : i32 to vector<1x1x16xi32>
      %swap3A_89 = arith.constant 0 : index
      %swap3A_90 = arith.constant 0 : index
      %swap3A_91 = arith.constant 0 : index
      %swap3A_92 = vector.load %arg6[%swap3A_89, %swap3A_90, %swap3A_91] : memref<1x1x16xi32, #tpu.memory_space<vmem>>, vector<1x1x16xi32>
      tpu.vector_store %arg6[%swap3A_89, %swap3A_90, %swap3A_91], %broadcast_in_dim3A_88 {strides = array<i32>} : memref<1x1x16xi32, #tpu.memory_space<vmem>>, vector<1x1x16xi32>,
    } else {
    }
    %get3A_42 = arith.constant 0 : index
    %get3A_43 = arith.constant 0 : index
    %get3A_44 = arith.constant 0 : index
    %get3A_45 = vector.load %arg5[%get3A_42, %get3A_43, %get3A_44] : memref<1x512x512xf32, #tpu.memory_space<vmem>>, vector<1x512x512xf32>
    %add3A_46 = arith.addf %get3A_45, %broadcast_in_dim3A_38 : vector<1x512x512xf32>
    %swap3A = arith.constant 0 : index
    %swap3A_47 = arith.constant 0 : index
    %swap3A_48 = arith.constant 0 : index
    %swap3A_49 = vector.load %arg5[%swap3A, %swap3A_47, %swap3A_48] : memref<1x512x512xf32, #tpu.memory_space<vmem>>, vector<1x512x512xf32>
    tpu.vector_store %arg5[%swap3A, %swap3A_47, %swap3A_48], %add3A_46 {strides = array<i32>} : memref<1x512x512xf32, #tpu.memory_space<vmem>>, vector<1x512x512xf32>,
    %ge3A = arith.constant 6 : i32
    %ge3A_50 = arith.cmpi sge, %arg1, %ge3A : i32
    %lt3A = arith.constant 10 : i32
    %lt3A_51 = arith.cmpi slt, %arg1, %lt3A : i32
    %and3A = arith.andi %ge3A_50, %lt3A_51 : i1
    %convert_element_type3A_52 = arith.extui %and3A : i1 to i32
    %cond3A_53 = arith.constant 0 : i32
    %cond3A_54 = arith.cmpi ne, %convert_element_type3A_52, %cond3A_53 : i32
    scf.if %cond3A_54 {
      %get3A_75 = arith.constant 0 : index
      %get3A_76 = arith.constant 0 : index
      %get3A_77 = arith.constant 0 : index
      %get3A_78 = vector.load %arg4[%get3A_75, %get3A_76, %get3A_77] : memref<1x512x512xf32, #tpu.memory_space<vmem>>, vector<1x512x512xf32>
      %add3A_79 = arith.addf %get3A_78, %broadcast_in_dim3A_38 : vector<1x512x512xf32>
      %swap3A_80 = arith.constant 0 : index
      %swap3A_81 = arith.constant 0 : index
      %swap3A_82 = arith.constant 0 : index
      %swap3A_83 = vector.load %arg4[%swap3A_80, %swap3A_81, %swap3A_82] : memref<1x512x512xf32, #tpu.memory_space<vmem>>, vector<1x512x512xf32>
      tpu.vector_store %arg4[%swap3A_80, %swap3A_81, %swap3A_82], %add3A_79 {strides = array<i32>} : memref<1x512x512xf32, #tpu.memory_space<vmem>>, vector<1x512x512xf32>,
    } else {
    }
    %max3A = arith.constant 0.000000e+00 : f32
    %max3A_55 = vector.broadcast %max3A : f32 to vector<512x512xf32>
    %max3A_56 = arith.maximumf %sub3A_34, %max3A_55 : vector<512x512xf32>
    %convert_element_type3A_57 = arith.fptosi %max3A_56 : vector<512x512xf32> to vector<512x512xi32>
    %reduce_sum3A = vector.shape_cast %convert_element_type3A_57 : vector<512x512xi32> to vector<1x512x512xi32>
    %reduce_sum3A_58 = arith.constant dense<0> : vector<1xi32>
    %reduce_sum3A_59 = vector.multi_reduction <add>, %reduce_sum3A, %reduce_sum3A_58 [1, 2] : vector<1x512x512xi32> to vector<1xi32>
    %reduce_sum3A_60 = vector.shape_cast %reduce_sum3A_59 : vector<1xi32> to vector<1x1x1xi32>
    %reduce_sum3A_61 = vector.extract %reduce_sum3A_60[0, 0, 0] : i32 from vector<1x1x1xi32>
    %iota3A = tpu.iota {dimensions = array<i32: 2>} : vector<1x1x16xi32>
    %get3A_62 = arith.constant 0 : index
    %get3A_63 = arith.constant 0 : index
    %get3A_64 = arith.constant 0 : index
    %get3A_65 = vector.load %arg6[%get3A_62, %get3A_63, %get3A_64] : memref<1x1x16xi32, #tpu.memory_space<vmem>>, vector<1x1x16xi32>
    %eq3A_66 = vector.broadcast %arg1 : i32 to vector<1x1x16xi32>
    %eq3A_67 = arith.cmpi eq, %iota3A, %eq3A_66 : vector<1x1x16xi32>
    %jit3A = arith.constant 0 : i32
    %broadcast_in_dim3A_68 = vector.broadcast %reduce_sum3A_61 : i32 to vector<1x1x16xi32>
    %broadcast_in_dim3A_69 = vector.broadcast %jit3A : i32 to vector<1x1x16xi32>
    %select_n3A = arith.select %eq3A_67, %broadcast_in_dim3A_68, %broadcast_in_dim3A_69 : vector<1x1x16xi1>, vector<1x1x16xi32>
    %add3A_70 = arith.addi %get3A_65, %select_n3A : vector<1x1x16xi32>
    %swap3A_71 = arith.constant 0 : index
    %swap3A_72 = arith.constant 0 : index
    %swap3A_73 = arith.constant 0 : index
    %swap3A_74 = vector.load %arg6[%swap3A_71, %swap3A_72, %swap3A_73] : memref<1x1x16xi32, #tpu.memory_space<vmem>>, vector<1x1x16xi32>
    tpu.vector_store %arg6[%swap3A_71, %swap3A_72, %swap3A_73], %add3A_70 {strides = array<i32>} : memref<1x1x16xi32, #tpu.memory_space<vmem>>, vector<1x1x16xi32>,
    return
  }
  func.func @transform_0(%arg0: i32, %arg1: i32) -> (i32, i32, i32, i32) {
    %c0_i32 = arith.constant 0 : i32
    %c0_i32_0 = arith.constant 0 : i32
    %c0_i32_1 = arith.constant 0 : i32
    return %arg0, %arg1, %c0_i32, %c0_i32_0 : i32, i32, i32, i32
  }
  func.func @transform_1(%arg0: i32, %arg1: i32) -> (i32, i32, i32, i32) {
    %add3A = arith.constant 1 : i32
    %add3A_0 = arith.addi %arg1, %add3A : i32
    %c0_i32 = arith.constant 0 : i32
    %c0_i32_1 = arith.constant 0 : i32
    %c0_i32_2 = arith.constant 0 : i32
    return %arg0, %add3A_0, %c0_i32, %c0_i32_1 : i32, i32, i32, i32
  }
  func.func @transform_2(%arg0: i32, %arg1: i32) -> (i32, i32, i32) {
    %c0_i32 = arith.constant 0 : i32
    %c0_i32_0 = arith.constant 0 : i32
    %c0_i32_1 = arith.constant 0 : i32
    return %arg0, %c0_i32, %c0_i32_0 : i32, i32, i32
  }
  func.func @transform_3(%arg0: i32, %arg1: i32) -> (i32, i32, i32) {
    %c0_i32 = arith.constant 0 : i32
    %c0_i32_0 = arith.constant 0 : i32
    %c0_i32_1 = arith.constant 0 : i32
    return %arg0, %c0_i32, %c0_i32_0 : i32, i32, i32
  }
  func.func @transform_4(%arg0: i32, %arg1: i32) -> (i32, i32, i32) {
    %c0_i32 = arith.constant 0 : i32
    %c0_i32_0 = arith.constant 0 : i32
    %c0_i32_1 = arith.constant 0 : i32
    return %arg0, %c0_i32, %c0_i32_0 : i32, i32, i32
  }
}

module attributes {stable_mosaic.version = 14 : i64} {
  func.func @_p5_body(%arg0: i32, %arg1: memref<4xi32, #tpu.memory_space<smem>>, %arg2: memref<1x1x512x512xf32, #tpu.memory_space<vmem>>, %arg3: memref<1x1x512x512xf32, #tpu.memory_space<vmem>>, %arg4: memref<1x512x512xf32, #tpu.memory_space<vmem>>, %arg5: memref<1x512x512xf32, #tpu.memory_space<vmem>>, %arg6: memref<1x128xi32, #tpu.memory_space<vmem>>, %arg7: memref<1x3x512x512xf32, #tpu.memory_space<vmem>>) attributes {dimension_semantics = [#tpu.dimension_semantics<arbitrary>], iteration_bounds = array<i64: 4>, scalar_prefetch = 1 : i64, scratch_operands = 0 : i64, tpu.core_type = #tpu.core_type<tc>, window_params = [{transform_indices = @transform_0, window_bounds = array<i64: 1, 1, 512, 512>}, {transform_indices = @transform_1, window_bounds = array<i64: 1, 1, 512, 512>}, {transform_indices = @transform_2, window_bounds = array<i64: 1, 512, 512>}, {transform_indices = @transform_3, window_bounds = array<i64: 1, 512, 512>}, {pipeline_mode = #tpu.pipeline_mode<synchronous>, transform_indices = @transform_4, window_bounds = array<i64: 1, 128>}, {transform_indices = @transform_5, window_bounds = array<i64: 1, 3, 512, 512>}]} {
    %get3A = arith.constant 0 : index
    %get3A_0 = arith.constant 0 : index
    %get3A_1 = arith.constant 0 : index
    %get3A_2 = arith.constant 0 : index
    %get3A_3 = vector.load %arg2[%get3A, %get3A_0, %get3A_1, %get3A_2] : memref<1x1x512x512xf32, #tpu.memory_space<vmem>>, vector<1x1x512x512xf32>
    %get3A_4 = vector.shape_cast %get3A_3 : vector<1x1x512x512xf32> to vector<512x512xf32>
    %mul3A = arith.constant 2.000000e+00 : f32
    %mul3A_5 = vector.broadcast %mul3A : f32 to vector<512x512xf32>
    %mul3A_6 = arith.mulf %mul3A_5, %get3A_4 : vector<512x512xf32>
    %get3A_7 = arith.constant 0 : index
    %get3A_8 = arith.constant 0 : index
    %get3A_9 = arith.constant 0 : index
    %get3A_10 = arith.constant 0 : index
    %get3A_11 = vector.load %arg3[%get3A_7, %get3A_8, %get3A_9, %get3A_10] : memref<1x1x512x512xf32, #tpu.memory_space<vmem>>, vector<1x1x512x512xf32>
    %get3A_12 = vector.shape_cast %get3A_11 : vector<1x1x512x512xf32> to vector<512x512xf32>
    %mul3A_13 = arith.constant 1.600000e+01 : f32
    %mul3A_14 = vector.broadcast %mul3A_13 : f32 to vector<512x512xf32>
    %mul3A_15 = arith.mulf %mul3A_14, %get3A_12 : vector<512x512xf32>
    %add3A = arith.addf %mul3A_6, %mul3A_15 : vector<512x512xf32>
    %sub3A = arith.constant 9.000000e+00 : f32
    %sub3A_16 = vector.broadcast %sub3A : f32 to vector<512x512xf32>
    %sub3A_17 = arith.subf %add3A, %sub3A_16 : vector<512x512xf32>
    %broadcast_in_dim3A = arith.constant 0.000000e+00 : f32
    %broadcast_in_dim3A_18 = vector.broadcast %broadcast_in_dim3A : f32 to vector<1x512xf32>
    %slice3A = vector.extract_strided_slice %sub3A_17 {offsets = [1, 0], sizes = [511, 512], strides = [1, 1]} : vector<512x512xf32> to vector<511x512xf32>
    %concatenate3A = tpu.concatenate %slice3A, %broadcast_in_dim3A_18 in 0 : vector<511x512xf32>, vector<1x512xf32> -> vector<512x512xf32>
    %add3A_19 = arith.addf %sub3A_17, %concatenate3A : vector<512x512xf32>
    %slice3A_20 = vector.extract_strided_slice %sub3A_17 {offsets = [0, 0], sizes = [511, 512], strides = [1, 1]} : vector<512x512xf32> to vector<511x512xf32>
    %concatenate3A_21 = tpu.concatenate %broadcast_in_dim3A_18, %slice3A_20 in 0 : vector<1x512xf32>, vector<511x512xf32> -> vector<512x512xf32>
    %add3A_22 = arith.addf %add3A_19, %concatenate3A_21 : vector<512x512xf32>
    %broadcast_in_dim3A_23 = arith.constant 0.000000e+00 : f32
    %broadcast_in_dim3A_24 = vector.broadcast %broadcast_in_dim3A_23 : f32 to vector<512x1xf32>
    %slice3A_25 = vector.extract_strided_slice %add3A_22 {offsets = [0, 1], sizes = [512, 511], strides = [1, 1]} : vector<512x512xf32> to vector<512x511xf32>
    %concatenate3A_26 = tpu.concatenate %slice3A_25, %broadcast_in_dim3A_24 in 1 : vector<512x511xf32>, vector<512x1xf32> -> vector<512x512xf32>
    %add3A_27 = arith.addf %add3A_22, %concatenate3A_26 : vector<512x512xf32>
    %slice3A_28 = vector.extract_strided_slice %add3A_22 {offsets = [0, 0], sizes = [512, 511], strides = [1, 1]} : vector<512x512xf32> to vector<512x511xf32>
    %concatenate3A_29 = tpu.concatenate %broadcast_in_dim3A_24, %slice3A_28 in 1 : vector<512x1xf32>, vector<512x511xf32> -> vector<512x512xf32>
    %add3A_30 = arith.addf %add3A_27, %concatenate3A_29 : vector<512x512xf32>
    %mul3A_31 = arith.constant 2.000000e+00 : f32
    %mul3A_32 = vector.broadcast %mul3A_31 : f32 to vector<512x512xf32>
    %mul3A_33 = arith.mulf %mul3A_32, %sub3A_17 : vector<512x512xf32>
    %sub3A_34 = arith.subf %add3A_30, %mul3A_33 : vector<512x512xf32>
    %max3A = arith.constant 0.000000e+00 : f32
    %max3A_35 = vector.broadcast %max3A : f32 to vector<512x512xf32>
    %max3A_36 = arith.maximumf %sub3A_34, %max3A_35 : vector<512x512xf32>
    %mul3A_37 = arith.constant 6.250000e-02 : f32
    %mul3A_38 = vector.broadcast %mul3A_37 : f32 to vector<512x512xf32>
    %mul3A_39 = arith.mulf %max3A_36, %mul3A_38 : vector<512x512xf32>
    %iota3A = tpu.iota {dimensions = array<i32: 1>} : vector<1x128xi32>
    %get3A_40 = arith.constant 0 : index
    %get3A_41 = arith.constant 0 : index
    %get3A_42 = vector.load %arg6[%get3A_40, %get3A_41] : memref<1x128xi32, #tpu.memory_space<vmem>>, vector<1x128xi32>
    %eq3A = vector.broadcast %arg0 : i32 to vector<1x128xi32>
    %eq3A_43 = arith.cmpi eq, %iota3A, %eq3A : vector<1x128xi32>
    %jit3A = arith.constant 0 : i32
    %broadcast_in_dim3A_44 = vector.broadcast %jit3A : i32 to vector<1x128xi32>
    %select_n3A = arith.select %eq3A_43, %get3A_42, %broadcast_in_dim3A_44 : vector<1x128xi1>, vector<1x128xi32>
    %reduce_sum3A = vector.shape_cast %select_n3A : vector<1x128xi32> to vector<1x1x128xi32>
    %reduce_sum3A_45 = arith.constant dense<0> : vector<1xi32>
    %reduce_sum3A_46 = vector.multi_reduction <add>, %reduce_sum3A, %reduce_sum3A_45 [1, 2] : vector<1x1x128xi32> to vector<1xi32>
    %reduce_sum3A_47 = vector.shape_cast %reduce_sum3A_46 : vector<1xi32> to vector<1x1x1xi32>
    %reduce_sum3A_48 = vector.extract %reduce_sum3A_47[0, 0, 0] : i32 from vector<1x1x1xi32>
    %add3A_49 = arith.constant 4 : i32
    %add3A_50 = arith.addi %arg0, %add3A_49 : i32
    %eq3A_51 = vector.broadcast %add3A_50 : i32 to vector<1x128xi32>
    %eq3A_52 = arith.cmpi eq, %iota3A, %eq3A_51 : vector<1x128xi32>
    %jit3A_53 = arith.constant 0 : i32
    %broadcast_in_dim3A_54 = vector.broadcast %jit3A_53 : i32 to vector<1x128xi32>
    %select_n3A_55 = arith.select %eq3A_52, %get3A_42, %broadcast_in_dim3A_54 : vector<1x128xi1>, vector<1x128xi32>
    %reduce_sum3A_56 = vector.shape_cast %select_n3A_55 : vector<1x128xi32> to vector<1x1x128xi32>
    %reduce_sum3A_57 = arith.constant dense<0> : vector<1xi32>
    %reduce_sum3A_58 = vector.multi_reduction <add>, %reduce_sum3A_56, %reduce_sum3A_57 [1, 2] : vector<1x1x128xi32> to vector<1xi32>
    %reduce_sum3A_59 = vector.shape_cast %reduce_sum3A_58 : vector<1xi32> to vector<1x1x1xi32>
    %reduce_sum3A_60 = vector.extract %reduce_sum3A_59[0, 0, 0] : i32 from vector<1x1x1xi32>
    %convert_element_type3A = arith.sitofp %reduce_sum3A_48 : i32 to f32
    %div3A = arith.constant 5.000000e+05 : f32
    %div3A_61 = arith.divf %convert_element_type3A, %div3A : f32
    %convert_element_type3A_62 = arith.sitofp %reduce_sum3A_60 : i32 to f32
    %div3A_63 = arith.constant 5.000000e+05 : f32
    %div3A_64 = arith.divf %convert_element_type3A_62, %div3A_63 : f32
    %sub3A_65 = arith.constant 2.560000e+02 : f32
    %sub3A_66 = arith.subf %sub3A_65, %div3A_61 : f32
    %floor3A = math.floor %sub3A_66 : f32
    %convert_element_type3A_67 = arith.fptosi %floor3A : f32 to i32
    %sub3A_68 = arith.constant 2.560000e+02 : f32
    %sub3A_69 = arith.subf %sub3A_68, %div3A_64 : f32
    %floor3A_70 = math.floor %sub3A_69 : f32
    %convert_element_type3A_71 = arith.fptosi %floor3A_70 : f32 to i32
    %rem3A = arith.constant 512 : i32
    %rem3A_72 = arith.remsi %convert_element_type3A_71, %rem3A : i32
    %add3A_73 = arith.constant 512 : i32
    %add3A_74 = arith.addi %rem3A_72, %add3A_73 : i32
    %rem3A_75 = arith.constant 512 : i32
    %rem3A_76 = arith.remsi %add3A_74, %rem3A_75 : i32
    %rem3A_77 = arith.constant 512 : i32
    %rem3A_78 = arith.remsi %convert_element_type3A_67, %rem3A_77 : i32
    %add3A_79 = arith.constant 512 : i32
    %add3A_80 = arith.addi %rem3A_78, %add3A_79 : i32
    %rem3A_81 = arith.constant 512 : i32
    %rem3A_82 = arith.remsi %add3A_80, %rem3A_81 : i32
    %iota3A_83 = tpu.iota {dimensions = array<i32: 0>} : vector<512x512xi32>
    %iota3A_84 = tpu.iota {dimensions = array<i32: 1>} : vector<512x512xi32>
    %ge3A = vector.broadcast %convert_element_type3A_71 : i32 to vector<512x512xi32>
    %ge3A_85 = arith.cmpi sge, %iota3A_83, %ge3A : vector<512x512xi32>
    %add3A_86 = arith.constant 512 : i32
    %add3A_87 = arith.addi %add3A_86, %convert_element_type3A_71 : i32
    %lt3A = vector.broadcast %add3A_87 : i32 to vector<512x512xi32>
    %lt3A_88 = arith.cmpi slt, %iota3A_83, %lt3A : vector<512x512xi32>
    %and3A = arith.andi %ge3A_85, %lt3A_88 : vector<512x512xi1>
    %ge3A_89 = vector.broadcast %convert_element_type3A_67 : i32 to vector<512x512xi32>
    %ge3A_90 = arith.cmpi sge, %iota3A_84, %ge3A_89 : vector<512x512xi32>
    %and3A_91 = arith.andi %and3A, %ge3A_90 : vector<512x512xi1>
    %add3A_92 = arith.constant 512 : i32
    %add3A_93 = arith.addi %add3A_92, %convert_element_type3A_67 : i32
    %lt3A_94 = vector.broadcast %add3A_93 : i32 to vector<512x512xi32>
    %lt3A_95 = arith.cmpi slt, %iota3A_84, %lt3A_94 : vector<512x512xi32>
    %and3A_96 = arith.andi %and3A_91, %lt3A_95 : vector<512x512xi1>
    %get3A_97 = arith.constant 0 : index
    %get3A_98 = arith.constant 0 : index
    %get3A_99 = arith.constant 0 : index
    %get3A_100 = vector.load %arg4[%get3A_97, %get3A_98, %get3A_99] : memref<1x512x512xf32, #tpu.memory_space<vmem>>, vector<1x512x512xf32>
    %get3A_101 = vector.shape_cast %get3A_100 : vector<1x512x512xf32> to vector<512x512xf32>
    %get3A_102 = arith.constant 0 : index
    %get3A_103 = arith.constant 0 : index
    %get3A_104 = arith.constant 0 : index
    %get3A_105 = vector.load %arg5[%get3A_102, %get3A_103, %get3A_104] : memref<1x512x512xf32, #tpu.memory_space<vmem>>, vector<1x512x512xf32>
    %get3A_106 = vector.shape_cast %get3A_105 : vector<1x512x512xf32> to vector<512x512xf32>
    %roll3A = tpu.dynamic_rotate %mul3A_39 by %rem3A_76 dim 0 : vector<512x512xf32>, i32 -> vector<512x512xf32>
    %roll3A_107 = tpu.dynamic_rotate %roll3A by %rem3A_82 dim 1 : vector<512x512xf32>, i32 -> vector<512x512xf32>
    %jit3A_108 = arith.constant 0.000000e+00 : f32
    %broadcast_in_dim3A_109 = vector.broadcast %jit3A_108 : f32 to vector<512x512xf32>
    %select_n3A_110 = arith.select %and3A_96, %roll3A_107, %broadcast_in_dim3A_109 : vector<512x512xi1>, vector<512x512xf32>
    %swap3A = arith.constant 0 : index
    %swap3A_111 = arith.constant 0 : index
    %swap3A_112 = arith.constant 0 : index
    %swap3A_113 = arith.constant 0 : index
    %swap3A_114 = vector.load %arg7[%swap3A, %swap3A_111, %swap3A_112, %swap3A_113] : memref<1x3x512x512xf32, #tpu.memory_space<vmem>>, vector<1x1x512x512xf32>
    %swap3A_115 = vector.shape_cast %swap3A_114 : vector<1x1x512x512xf32> to vector<512x512xf32>
    %swap3A_116 = vector.shape_cast %select_n3A_110 : vector<512x512xf32> to vector<1x1x512x512xf32>
    tpu.vector_store %arg7[%swap3A, %swap3A_111, %swap3A_112, %swap3A_113], %swap3A_116 {strides = array<i32>} : memref<1x3x512x512xf32, #tpu.memory_space<vmem>>, vector<1x1x512x512xf32>,
    %roll3A_117 = tpu.dynamic_rotate %get3A_101 by %rem3A_76 dim 0 : vector<512x512xf32>, i32 -> vector<512x512xf32>
    %roll3A_118 = tpu.dynamic_rotate %roll3A_117 by %rem3A_82 dim 1 : vector<512x512xf32>, i32 -> vector<512x512xf32>
    %jit3A_119 = arith.constant 0.000000e+00 : f32
    %broadcast_in_dim3A_120 = vector.broadcast %jit3A_119 : f32 to vector<512x512xf32>
    %select_n3A_121 = arith.select %and3A_96, %roll3A_118, %broadcast_in_dim3A_120 : vector<512x512xi1>, vector<512x512xf32>
    %swap3A_122 = arith.constant 0 : index
    %swap3A_123 = arith.constant 1 : index
    %swap3A_124 = arith.constant 0 : index
    %swap3A_125 = arith.constant 0 : index
    %swap3A_126 = vector.load %arg7[%swap3A_122, %swap3A_123, %swap3A_124, %swap3A_125] : memref<1x3x512x512xf32, #tpu.memory_space<vmem>>, vector<1x1x512x512xf32>
    %swap3A_127 = vector.shape_cast %swap3A_126 : vector<1x1x512x512xf32> to vector<512x512xf32>
    %swap3A_128 = vector.shape_cast %select_n3A_121 : vector<512x512xf32> to vector<1x1x512x512xf32>
    tpu.vector_store %arg7[%swap3A_122, %swap3A_123, %swap3A_124, %swap3A_125], %swap3A_128 {strides = array<i32>} : memref<1x3x512x512xf32, #tpu.memory_space<vmem>>, vector<1x1x512x512xf32>,
    %roll3A_129 = tpu.dynamic_rotate %get3A_106 by %rem3A_76 dim 0 : vector<512x512xf32>, i32 -> vector<512x512xf32>
    %roll3A_130 = tpu.dynamic_rotate %roll3A_129 by %rem3A_82 dim 1 : vector<512x512xf32>, i32 -> vector<512x512xf32>
    %jit3A_131 = arith.constant 0.000000e+00 : f32
    %broadcast_in_dim3A_132 = vector.broadcast %jit3A_131 : f32 to vector<512x512xf32>
    %select_n3A_133 = arith.select %and3A_96, %roll3A_130, %broadcast_in_dim3A_132 : vector<512x512xi1>, vector<512x512xf32>
    %swap3A_134 = arith.constant 0 : index
    %swap3A_135 = arith.constant 2 : index
    %swap3A_136 = arith.constant 0 : index
    %swap3A_137 = arith.constant 0 : index
    %swap3A_138 = vector.load %arg7[%swap3A_134, %swap3A_135, %swap3A_136, %swap3A_137] : memref<1x3x512x512xf32, #tpu.memory_space<vmem>>, vector<1x1x512x512xf32>
    %swap3A_139 = vector.shape_cast %swap3A_138 : vector<1x1x512x512xf32> to vector<512x512xf32>
    %swap3A_140 = vector.shape_cast %select_n3A_133 : vector<512x512xf32> to vector<1x1x512x512xf32>
    tpu.vector_store %arg7[%swap3A_134, %swap3A_135, %swap3A_136, %swap3A_137], %swap3A_140 {strides = array<i32>} : memref<1x3x512x512xf32, #tpu.memory_space<vmem>>, vector<1x1x512x512xf32>,
    return
  }
  func.func @transform_0(%arg0: i32, %arg1: memref<4xi32, #tpu.memory_space<smem>>) -> (i32, i32, i32, i32) {
    %get3A = arith.index_cast %arg0 : i32 to index
    %get3A_0 = memref.load %arg1[%get3A] : memref<4xi32, #tpu.memory_space<smem>>
    %c0_i32 = arith.constant 0 : i32
    %c0_i32_1 = arith.constant 0 : i32
    %c0_i32_2 = arith.constant 0 : i32
    return %arg0, %get3A_0, %c0_i32, %c0_i32_1 : i32, i32, i32, i32
  }
  func.func @transform_1(%arg0: i32, %arg1: memref<4xi32, #tpu.memory_space<smem>>) -> (i32, i32, i32, i32) {
    %get3A = arith.index_cast %arg0 : i32 to index
    %get3A_0 = memref.load %arg1[%get3A] : memref<4xi32, #tpu.memory_space<smem>>
    %add3A = arith.constant 1 : i32
    %add3A_1 = arith.addi %get3A_0, %add3A : i32
    %c0_i32 = arith.constant 0 : i32
    %c0_i32_2 = arith.constant 0 : i32
    %c0_i32_3 = arith.constant 0 : i32
    return %arg0, %add3A_1, %c0_i32, %c0_i32_2 : i32, i32, i32, i32
  }
  func.func @transform_2(%arg0: i32, %arg1: memref<4xi32, #tpu.memory_space<smem>>) -> (i32, i32, i32) {
    %c0_i32 = arith.constant 0 : i32
    %c0_i32_0 = arith.constant 0 : i32
    %c0_i32_1 = arith.constant 0 : i32
    return %arg0, %c0_i32, %c0_i32_0 : i32, i32, i32
  }
  func.func @transform_3(%arg0: i32, %arg1: memref<4xi32, #tpu.memory_space<smem>>) -> (i32, i32, i32) {
    %c0_i32 = arith.constant 0 : i32
    %c0_i32_0 = arith.constant 0 : i32
    %c0_i32_1 = arith.constant 0 : i32
    return %arg0, %c0_i32, %c0_i32_0 : i32, i32, i32
  }
  func.func @transform_4(%arg0: i32, %arg1: memref<4xi32, #tpu.memory_space<smem>>) -> (i32, i32) {
    %c0_i32 = arith.constant 0 : i32
    %c0_i32_0 = arith.constant 0 : i32
    %c0_i32_1 = arith.constant 0 : i32
    return %c0_i32, %c0_i32_0 : i32, i32
  }
  func.func @transform_5(%arg0: i32, %arg1: memref<4xi32, #tpu.memory_space<smem>>) -> (i32, i32, i32, i32) {
    %c0_i32 = arith.constant 0 : i32
    %c0_i32_0 = arith.constant 0 : i32
    %c0_i32_1 = arith.constant 0 : i32
    %c0_i32_2 = arith.constant 0 : i32
    return %arg0, %c0_i32, %c0_i32_0, %c0_i32_1 : i32, i32, i32, i32
  }
}

</mosaic_0001>

<sc_bundles>
// kernel: kernel.7.cloned.1.call-start
scs
__scs_entry_jumppad:
0x0: {  	(pc) =	sbr.rel $0x88, $3  }
0x1: {  	(tag) =	ssettag $0x0;
	lr =	simm.s32 $0x1  }
0x2: {  	[smem:$0x3FA0] =	sst lr;
	_ =	strace $0xD0000000  }
0x3: {  	_ = 	snop  }
0x4: {  	_ = 	snop  }
0x5: {  	_ = 	snop  }
0x6: {  	_ = 	snop  }
0x7: {  	_ = 	snop  }
__scs_overlays_trampoline_lowered:
0x8: {  	[smem:$0x3FAF] =	sst s0  }
0x9: {  	[smem:$0x3FB0] =	sst s1  }
0xa: {  	[smem:$0x3FB1] =	sst s2  }
0xb: {  	[smem:$0x3FB2] =	sst s3  }
0xc: {  	[smem:$0x3FB3] =	sst s4  }
0xd: {  	[smem:$0x3FB4] =	sst s5  }
0xe: {  	[smem:$0x3FB5] =	sst s6  }
0xf: {  	[smem:$0x3FB6] =	sst s7  }
0x10: {  	[smem:$0x3FB7] =	sst s8  }
0x11: {  	[smem:$0x3FB8] =	sst s9;
	s0 =	simm.s32 @!p0 $0x0  }
0x12: {  	s1 =	sld [smem:$0x3F9E];
	s0 =	simm.s32 @p0 $0x1  }
0x13: {  	[smem:$0x3FB9] =	sst s0;
	s0 =	simm.s32 @!p1 $0x0  }
0x14: {  	s2 =	sld [smem:$0x3F9D];
	s0 =	simm.s32 @p1 $0x1  }
0x15: {  	[smem:$0x3FBA] =	sst s0;
	s0 =	simm.s32 @!p2 $0x0  }
0x16: {  	s3 =	sld [smem:$0x3FDB];
	s0 =	simm.s32 @p2 $0x1  }
0x17: {  	s4 =	simm.s32 $0x1BF5;
	[smem:$0x3FBC] =	sst s0  }
0x18: {  	s0 =	sld [smem:$0x3F9F];
	_ =	swait.ge [sflag:s4], $0x0  }
0x19: {  	s7 =	sld [smem:$0x3FA0]  }
0x1a: {  	s8 =	sadd.s32 $0xFFFFE003, lr  }
0x1b: {  	s9 =	sadd.s32 $0xFFFFFEF7, lr;
	s5 =	simm.s32 $0xFFFFFFFF;
	p2 =	slt.u32 s8, $0xFFFFF086  }
0x1c: {  	p1 =	slt.u32 s9, $0xF7A;
	s5 =	simm.s32 @!p2 $0x0  }
0x1d: {  	s5 =	simm.s32 @p1 $0x1;
	p0 =	seq.s32 s7, s2  }
0x1e: {  	s7 =	smul.u32 @!p0 $0xF7A, s2;
	p2 =	seq.s32 @!p0 s5, $0x0  }
0x1f: {  	s9 =	smul.u32 $0xF7A, s1;
	s8 =	simm.s32 @!p0 $0x1BF5;
	p2 =	por !p2, p0  }
0x20: {  	[sflag:s8] =	ssyncset.s32 @!p0 $0xFFFFF086;
	s6 =	sadd.s32 @!p0 s3, s7;
	s7 =	simm.s32 @!p0 $0x108  }
0x21: {  	s3 =	sadd.s32 s3, s9;
	s6 =	sadd.s32 @!p0 $0x88, s6;
	s7 =	simm.s32 @p2 $0x1082  }
0x22: {  	[simem:s7], [sflag:s8] =	dma.local @!p0 [hbm:s6], $0xF7A  }
0x23: {  	s9 =	sor.u32 $0xD0000000, s2;
	s6 =	simm.s32 $0x108;
	_ =	swait.ge @!p0 [sflag:s8], $0x0  }
0x24: {  	s3 =	sadd.s32 $0x88, s3;
	s6 =	simm.s32 @!p1 $0x1082;
	[sflag:s4] =	ssyncset.s32 $0xFFFFF086  }
0x25: {  	[simem:s6], [sflag:s4] =	dma.local [hbm:s3], $0xF7A  }
0x26: {  	[smem:$0x3FA0] =	sst s1;
	(tag) =	ssettag s2;
	_ =	strace s9  }
0x27: {  	s1 =	sld [smem:$0x3FB0]  }
0x28: {  	s2 =	sld [smem:$0x3FB1]  }
0x29: {  	s4 =	sld [smem:$0x3FB3]  }
0x2a: {  	p0 =	seq.s32 s5, $0x0;
	s5 =	sld [smem:$0x3FB4]  }
0x2b: {  	s6 =	sld [smem:$0x3FB5]  }
0x2c: {  	s7 =	sld [smem:$0x3FB6]  }
0x2d: {  	s3 =	simm.s32 $0x108;
	s8 =	sld [smem:$0x3FB7]  }
0x2e: {  	s3 =	simm.s32 @!p0 $0x1082;
	s9 =	sld [smem:$0x3FB8]  }
0x2f: {  	lr =	sadd.s32 s0, s3;
	s0 =	sld [smem:$0x3FAF]  }
0x30: {  	s3 =	sld [smem:$0x3FB2]  }
0x31: {  	[smem:$0x3FBB] =	sst s10  }
0x32: {  	s10 =	sld [smem:$0x3FB9];
	_ =	sdelay $0x3  }
0x33: {  	p0 =	seq.s32 s10, $0x1;
	s10 =	sld [smem:$0x3FBB];
	_ =	sdelay $0x3  }
0x34: {  	[smem:$0x3FBB] =	sst s10  }
0x35: {  	s10 =	sld [smem:$0x3FBA];
	_ =	sdelay $0x3  }
0x36: {  	p1 =	seq.s32 s10, $0x1;
	s10 =	sld [smem:$0x3FBB];
	_ =	sdelay $0x3  }
0x37: {  	[smem:$0x3FBB] =	sst s10  }
0x38: {  	s10 =	sld [smem:$0x3FBC]  }
0x39: {  	_ = 	snop;
	(pc) =	sbr.ind lr, $3  }
0x3a: {  	_ = 	snop  }
0x3b: {  	_ = 	snop  }
0x3c: {  	p2 =	seq.s32 s10, $0x1;
	s10 =	sld [smem:$0x3FBB]  }
0x3d: {  	_ =	shalt  }
0x3e: {  	_ =	shalt  }
0x3f: {  	_ =	shalt  }
0x40: {  	_ =	shalt  }
0x41: {  	_ =	shalt  }
0x42: {  	_ =	shalt  }
0x43: {  	_ =	shalt  }
0x44: {  	_ =	shalt  }
0x45: {  	_ =	shalt  }
0x46: {  	_ =	shalt  }
0x47: {  	_ =	shalt  }
0x48: {  	_ =	shalt  }
0x49: {  	_ =	shalt  }
0x4a: {  	_ =	shalt  }
0x4b: {  	_ =	shalt  }
0x4c: {  	_ =	shalt  }
0x4d: {  	_ =	shalt  }
0x4e: {  	_ =	shalt  }
0x4f: {  	_ =	shalt  }
0x50: {  	_ =	shalt  }
0x51: {  	_ =	shalt  }
0x52: {  	_ =	shalt  }
0x53: {  	_ =	shalt  }
0x54: {  	_ =	shalt  }
0x55: {  	_ =	shalt  }
0x56: {  	_ =	shalt  }
0x57: {  	_ =	shalt  }
0x58: {  	_ =	shalt  }
0x59: {  	_ =	shalt  }
0x5a: {  	_ =	shalt  }
0x5b: {  	_ =	shalt  }
0x5c: {  	_ =	shalt  }
0x5d: {  	_ =	shalt  }
0x5e: {  	_ =	shalt  }
0x5f: {  	_ =	shalt  }
0x60: {  	_ =	shalt  }
0x61: {  	_ =	shalt  }
0x62: {  	_ =	shalt  }
0x63: {  	_ =	shalt  }
0x64: {  	_ =	shalt  }
0x65: {  	_ =	shalt  }
0x66: {  	_ =	shalt  }
0x67: {  	_ =	shalt  }
0x68: {  	_ =	shalt  }
0x69: {  	_ =	shalt  }
0x6a: {  	_ =	shalt  }
0x6b: {  	_ =	shalt  }
0x6c: {  	_ =	shalt  }
0x6d: {  	_ =	shalt  }
0x6e: {  	_ =	shalt  }
0x6f: {  	_ =	shalt  }
0x70: {  	_ =	shalt  }
0x71: {  	_ =	shalt  }
0x72: {  	_ =	shalt  }
0x73: {  	_ =	shalt  }
0x74: {  	_ =	shalt  }
0x75: {  	_ =	shalt  }
0x76: {  	_ =	shalt  }
0x77: {  	_ =	shalt  }
0x78: {  	_ =	shalt  }
0x79: {  	_ =	shalt  }
0x7a: {  	_ =	shalt  }
0x7b: {  	_ =	shalt  }
0x7c: {  	_ =	shalt  }
0x7d: {  	_ =	shalt  }
0x7e: {  	_ =	shalt  }
0x7f: {  	_ =	shalt  }
0x80: {  	_ =	shalt  }
0x81: {  	_ =	shalt  }
0x82: {  	_ =	shalt  }
0x83: {  	_ =	shalt  }
0x84: {  	_ =	shalt  }
0x85: {  	_ =	shalt  }
0x86: {  	_ =	shalt  }
0x87: {  	_ =	shalt  }
.Lfunc_end0:
.L_simem_size_0:
called_computation_lowered:
.L_overlay_start_0:
0x88: {  	s2 =	sld [smem:$0x3FD9]  }
0x89: {  	s3 =	sld [smem:$0x3FFE];
	_ =	sdelay $0x1  }
0x8a: {  	s1 =	srdreg.scid  }
0x8b: {  	s0 =	sand.u32 $0x1, s1  }
0x8c: {  	s17 =	sshll.u32 s0, $0xA;
	s2 =	sadd.s32 s3, s2  }
0x8d: {  	s2 =	sadd.s32 s2, s17  }
0x8e: {  	[smem:$0x3FC7] =	sst s2  }
0x8f: {  	_ = 	snop  }
0x90: {  	s2 =	sld [smem:$0x3FD0];
	(tm) =	ssettm $0x1  }
0x91: {  	s18 =	sld [smem:$0x3FFB];
	_ =	sdelay $0x3  }
0x92: {  	_ =	strace s18  }
0x93: {  	s3 =	sld [smem:$0x3FFC];
	_ =	sdelay $0x3  }
0x94: {  	_ =	strace s3  }
0x95: {  	s3 =	sld [smem:$0x3FFD];
	_ =	sdelay $0x3  }
0x96: {  	_ =	strace s3  }
0x97: {  	_ =	strace $0x8FFFFFFF  }
0x98: {  	s19 =	sld [smem:$0x3FDB];
	_ =	sdelay $0x1  }
0x99: {  	s4 =	simm.s32 $_scs_section_size  }
0x9a: {  	s5 =	simm.s32 $_size__tile_overlayer_lowered;
	s6 =	simm.s32 $_tile_overlayer_lowered  }
0x9b: {  	s22 =	simm.s32 $0x1BFF;
	s21 =	sshll.u32 s6, $0x1;
	s3 =	sadd.s32 s4, s19  }
0x9c: {  	s7 =	simm.s32 $0x0;
	s20 =	sshll.u32 s5, $0x1;
	s5 =	sadd.s32 s21, s3  }
0x9d: {  	[timem:s7], [sflag:s22] =	dma.local [hbm:s5], s20  }
0x9e: {  	_ =	swait.ge [sflag:s22], s20  }
0x9f: {  	s4 =	ssub.s32 $0x0, s20;
	[sflag:s22] =	ssyncset.done $0x0  }
0xa0: {  	[sflag:s22] =	ssyncadd.s32 s4;
	_ =	sdelay $0x1  }
0xa1: {  	s23 =	simm.s32 $0x1B8B  }
0xa2: {  	_ =	swait.ge [sflag:s23], $0x1  }
0xa3: {  	[sflag:s23] =	ssyncset.done $0x0  }
0xa4: {  	s25 =	simm.s32 $0x1B8E;
	s24 =	sld [smem:$0x3FFE];
	[sflag:s23] =	ssyncadd.s32 $0xFFFFFFFF  }
0xa5: {  	s26 =	simm.s32 $execute0_lowered;
	[smem:$0x3FD2] =	sst s25  }
0xa6: {  	s5 =	sshll.u32 s26, $0x1;
	_ =	strace $0x80000046;
	[dreg:$0x1] =	wrdreg $0xFFFFFFFF  }
0xa7: {  	s28 =	simm.s32 $_size_execute0_lowered;
	s3 =	sadd.s32 s3, s5;
	[dreg:$0x0] =	wrdreg $0x0  }
0xa8: {  	s5 =	sshll.u32 s28, $0x1;
	[dreg:$0x2] =	wrdreg s3  }
0xa9: {  	[dreg:$0x3] =	wrdreg s5  }
0xaa: {  	[dreg:$0x4] =	wrdreg $0xC0  }
0xab: {  	_ =	task [dreg:s7], $0x5FFFF  }
0xac: {  	[dreg:$0x1] =	wrdreg $0xFFFFFFFF  }
0xad: {  	[dreg:$0x0] =	wrdreg $0x60  }
0xae: {  	[dreg:$0x2] =	wrdreg s2  }
0xaf: {  	[dreg:$0x3] =	wrdreg s24  }
0xb0: {  	[dreg:$0x4] =	wrdreg $0x9  }
0xb1: {  	_ =	task.clear_ibuf [dreg:s7], $0x5FFFF;
	_ =	strace $0x90000046  }
0xb2: {  	s29 =	simm.s32 $0x9;
	_ =	strace $0x80000048  }
0xb3: {  	_ =	swait.ge [sflag:s29], $0x1  }
0xb4: {  	[sflag:s29] =	ssyncadd.s32 $0xFFFFFFFF  }
0xb5: {  	_ =	strace $0x90000048  }
0xb6: {  	_ =	sfence  }
0xb7: {  	s30 =	sld [smem:$0x0];
	_ =	sdelay $0x2  }
0xb8: {  	s31 =	sshll.u32 s1, $0xD;
	s1 =	sshrl.u32 s1, $0x2  }
0xb9: {  	s3 =	sand.u32 $0x4000, s31;
	s1 =	sadd.s32 s1, s30  }
0xba: {  	s0 =	sor.u32 s3, s0;
	s1 =	sshll.u32 s1, $0x11  }
0xbb: {  	s0 =	sor.u32 s1, s0  }
0xbc: {  	s0 =	sadd.s32 $0x8F2B, s0  }
0xbd: {  	[sflag:s0] =	ssyncadd.remote.s32 $0x1  }
0xbe: {  	_ =	sfence.sel $0xFFFF  }
0xbf: {  	[dreg:$0x0] =	wrdreg $0xFFFFFFFF;
	(pc) =	sbr.abs _section_cstart, $3  }
0xc0: {  	[dreg:$0x1] =	wrdreg $0xFFFFFFFF  }
0xc1: {  	_ =	task.clear_ibuf [dreg:s7], $0x2FFFF;
	_ =	strace $0x9FFFFFFF  }
0xc2: {  	(tm) =	ssettm $0x7FFFFFFF  }
0xc3: {  	_ =	shalt  }
tec
execute0_lowered:
.L_overlay_start_1:
0x0: {  	(tag) =	ssettag $0x1  }
0x1: {  	s0 =	srdreg.scid  }
0x2: {  	s0 =	sand.u32 $0x1, s0  }
0x3: {  	s5 =	stileid.u32;
	s4 =	sshll.u32 s0, $0x4  }
0x4: {  	s3 =	rddreg [dreg:$0x1];
	s2 =	simm.s32 $0x0;
	s4 =	sor.u32 s5, s4  }
0x5: {  	[smem:$0x7FF] =	sst s2;
	s5 =	sshll.u32 s4, $0x10;
	s4 =	smul.u32 $0xF424, s4  }
0x6: {  	s1 =	rddreg [dreg:$0x0];
	_ =	strace $0x80000047;
	s5 =	sadd.s32 s5, s3  }
0x7: {  	s3 =	sand.u32 $0x1FFC00, s4;
	s23 =	sadd.s32 $0x138A00, s5  }
0x8: {  	s24 =	sadd.s32 $0x139200, s5;
	s25 =	sadd.s32 $0x139A00, s5  }
0x9: {  	s0 =	ssub.s32 $0x2, s0;
	s26 =	sadd.s32 $0x13A200, s5;
	s6 =	sadd.s32 $0x13AA00, s5  }
0xa: {  	s13 =	sshrl.u32 s0, $0x1;
	s7 =	sadd.s32 $0x13B200, s5;
	s8 =	sadd.s32 $0x13BA00, s5  }
0xb: {  	s9 =	sadd.s32 $0x13C200, s5;
	s10 =	sadd.s32 $0x13CA00, s5;
	[dreg:$0x3] =	wrdreg s23  }
0xc: {  	s11 =	sadd.s32 $0x13D200, s5;
	s12 =	sadd.s32 $0x13DA00, s5;
	[dreg:$0x4] =	wrdreg s24  }
0xd: {  	s14 =	sadd.s32 $0x13E200, s5;
	s15 =	sadd.s32 $0x13EA00, s5;
	[dreg:$0x5] =	wrdreg s25  }
0xe: {  	s16 =	sadd.s32 $0x13F200, s5;
	s17 =	sadd.s32 $0x13FA00, s5;
	[dreg:$0x6] =	wrdreg s26  }
0xf: {  	s18 =	sadd.s32 $0x140200, s5;
	s19 =	sadd.s32 $0x140A00, s5;
	[dreg:$0x7] =	wrdreg s6  }
0x10: {  	s20 =	sadd.s32 $0x141200, s5;
	s21 =	sadd.s32 $0x141A00, s5;
	[dreg:$0x8] =	wrdreg s7  }
0x11: {  	s22 =	sadd.s32 $0x142200, s5;
	s28 =	sadd.s32 $0x144A00, s5;
	[dreg:$0x9] =	wrdreg s8  }
0x12: {  	s29 =	sadd.s32 $0x145200, s5;
	s30 =	sadd.s32 $0x145A00, s5;
	[dreg:$0xa] =	wrdreg s9  }
0x13: {  	s31 =	sadd.s32 $0x146200, s5;
	s4 =	sadd.s32 $0x147A00, s5;
	[dreg:$0xb] =	wrdreg s10  }
0x14: {  	[dreg:$0xc] =	wrdreg s11;
	s23 =	sadd.s32 $0x142A00, s5;
	s24 =	sadd.s32 $0x143200, s5  }
0x15: {  	[dreg:$0xd] =	wrdreg s12;
	s25 =	sadd.s32 $0x143A00, s5;
	s26 =	sadd.s32 $0x144200, s5  }
0x16: {  	s6 =	ssub.s32 s0, s13;
	s3 =	sshrl.u32 s3, $0x3;
	s0 =	sadd.s32 $0x146A00, s5  }
0x17: {  	s8 =	simm.s32 $0x1;
	s9 =	simm.s32 $0x2;
	s10 =	simm.s32 $0x3  }
0x18: {  	s11 =	simm.s32 $0x0;
	s1 =	sadd.s32 s1, s3;
	s3 =	sadd.s32 $0x147200, s5  }
0x19: {  	v0 =	vimm.f32 $0.0e+00;
	v1 =	vimm.f32 $1.000000000e+00;
	s5 =	sadd.s32 $0x148200, s5;
	s6 =	smax.u32 s6, $0x1;
	s7 =	sadd.s32 $0xFC0, s1  }
.LBB2_1:
0x1a: {  	s12 =	simm.s32 $0x4000  }
0x1b: {  	[tilespmem:s12], [sflag:$0x2] =	stream.linear.gather [hbm4b:s1+s2], $0x7E00, $0x38;
	[tilespmem:$0x1BA00] =	vst v63  }
0x1c: {  	s12 =	simm.s32 $0x0  }
.LBB2_2:
0x1d: {  	p0 =	sne.s32 s12, $0xFFC0  }
.Ltmp0:
0x1e: {  	_ = 	snop;
	(pc) =	sbr.rel @p0 .LBB2_2-.Ltmp0, $3  }
0x1f: {  	_ =	sdelay $0x1  }
0x20: {  	s13 =	sshra.s32 s12, $0x2  }
0x21: {  	s12 =	sadd.s32 $0x40, s12;
	[tilespmem:s13+$0x0] =	vst v0  }
0x22: {  	s12 =	simm.s32 $0x40;
	s13 =	simm.s32 $0x0  }
.LBB2_4:
0x23: {  	p0 =	sne.s32 s12, $0x1F7C0;
	[tilespmem:s13+$0x13C00] =	vst v1;
	s13 =	smov.u32 s12;
	s12 =	sadd.s32 $0x40, s12  }
.Ltmp1:
0x24: {  	(pc) =	sbr.rel @p0 .LBB2_4-.Ltmp1, $2  }
0x25: {  	_ =	sdelay $0x2  }
0x26: {  	s13 =	sshra.s32 s13, $0x2  }
0x27: {  	[tilespmem:s13+$0x13C00] =	vst v1;
	s12 =	rddreg [dreg:$0x3]  }
0x28: {  	[hbm4b:s12+s2] =	stream.linear.scatter [tilespmem:s2], [sflag:$0x1], $0x4000, $0x38;
	[tilespmem:$0x1BA00] =	vst v63  }
0x29: {  	s13 =	rddreg [dreg:$0x4]  }
0x2a: {  	[hbm4b:s13+s2] =	stream.linear.scatter [tilespmem:s2], [sflag:$0x1], $0x4000, $0x38;
	[tilespmem:$0x1BA00] =	vst v63  }
0x2b: {  	s13 =	rddreg [dreg:$0x5]  }
0x2c: {  	[hbm4b:s13+s2] =	stream.linear.scatter [tilespmem:s2], [sflag:$0x1], $0x4000, $0x38;
	[tilespmem:$0x1BA00] =	vst v63  }
0x2d: {  	s13 =	rddreg [dreg:$0x6]  }
0x2e: {  	[hbm4b:s13+s2] =	stream.linear.scatter [tilespmem:s2], [sflag:$0x1], $0x4000, $0x38;
	[tilespmem:$0x1BA00] =	vst v63  }
0x2f: {  	s13 =	rddreg [dreg:$0x7]  }
0x30: {  	[hbm4b:s13+s2] =	stream.linear.scatter [tilespmem:s2], [sflag:$0x1], $0x4000, $0x38;
	[tilespmem:$0x1BA00] =	vst v63  }
0x31: {  	s13 =	rddreg [dreg:$0x8]  }
0x32: {  	[hbm4b:s13+s2] =	stream.linear.scatter [tilespmem:s2], [sflag:$0x1], $0x4000, $0x38;
	[tilespmem:$0x1BA00] =	vst v63  }
0x33: {  	s13 =	rddreg [dreg:$0x9]  }
0x34: {  	[hbm4b:s13+s2] =	stream.linear.scatter [tilespmem:s2], [sflag:$0x1], $0x4000, $0x38;
	[tilespmem:$0x1BA00] =	vst v63  }
0x35: {  	s13 =	rddreg [dreg:$0xa]  }
0x36: {  	[hbm4b:s13+s2] =	stream.linear.scatter [tilespmem:s2], [sflag:$0x1], $0x4000, $0x38;
	[tilespmem:$0x1BA00] =	vst v63  }
0x37: {  	s13 =	rddreg [dreg:$0xb]  }
0x38: {  	[hbm4b:s13+s2] =	stream.linear.scatter [tilespmem:s2], [sflag:$0x1], $0x4000, $0x38;
	[tilespmem:$0x1BA00] =	vst v63  }
0x39: {  	s13 =	rddreg [dreg:$0xc]  }
0x3a: {  	[hbm4b:s13+s2] =	stream.linear.scatter [tilespmem:s2], [sflag:$0x1], $0x4000, $0x38;
	[tilespmem:$0x1BA00] =	vst v63  }
0x3b: {  	s13 =	rddreg [dreg:$0xd]  }
0x3c: {  	[hbm4b:s13+s2] =	stream.linear.scatter [tilespmem:s2], [sflag:$0x1], $0x4000, $0x38;
	[tilespmem:$0x1BA00] =	vst v63  }
0x3d: {  	_ = 	snop  }
0x3e: {  	[hbm4b:s14+s2] =	stream.linear.scatter [tilespmem:s2], [sflag:$0x1], $0x4000, $0x38;
	[tilespmem:$0x1BA00] =	vst v63  }
0x3f: {  	_ = 	snop  }
0x40: {  	[hbm4b:s15+s2] =	stream.linear.scatter [tilespmem:s2], [sflag:$0x1], $0x4000, $0x38;
	[tilespmem:$0x1BA00] =	vst v63  }
0x41: {  	_ = 	snop  }
0x42: {  	[hbm4b:s16+s2] =	stream.linear.scatter [tilespmem:s2], [sflag:$0x1], $0x4000, $0x38;
	[tilespmem:$0x1BA00] =	vst v63  }
0x43: {  	_ = 	snop  }
0x44: {  	[hbm4b:s17+s2] =	stream.linear.scatter [tilespmem:s2], [sflag:$0x1], $0x4000, $0x38;
	[tilespmem:$0x1BA00] =	vst v63  }
0x45: {  	_ = 	snop  }
0x46: {  	[hbm4b:s18+s2] =	stream.linear.scatter [tilespmem:s2], [sflag:$0x1], $0x4000, $0x38;
	[tilespmem:$0x1BA00] =	vst v63  }
0x47: {  	_ = 	snop  }
0x48: {  	[hbm4b:s19+s2] =	stream.linear.scatter [tilespmem:s2], [sflag:$0x1], $0x4000, $0x38;
	[tilespmem:$0x1BA00] =	vst v63  }
0x49: {  	_ = 	snop  }
0x4a: {  	[hbm4b:s20+s2] =	stream.linear.scatter [tilespmem:s2], [sflag:$0x1], $0x4000, $0x38;
	[tilespmem:$0x1BA00] =	vst v63  }
0x4b: {  	_ = 	snop  }
0x4c: {  	[hbm4b:s21+s2] =	stream.linear.scatter [tilespmem:s2], [sflag:$0x1], $0x4000, $0x38;
	[tilespmem:$0x1BA00] =	vst v63  }
0x4d: {  	_ = 	snop  }
0x4e: {  	[hbm4b:s22+s2] =	stream.linear.scatter [tilespmem:s2], [sflag:$0x1], $0x4000, $0x38;
	[tilespmem:$0x1BA00] =	vst v63  }
0x4f: {  	_ = 	snop  }
0x50: {  	[hbm4b:s23+s2] =	stream.linear.scatter [tilespmem:s2], [sflag:$0x1], $0x4000, $0x38;
	[tilespmem:$0x1BA00] =	vst v63  }
0x51: {  	_ = 	snop  }
0x52: {  	[hbm4b:s24+s2] =	stream.linear.scatter [tilespmem:s2], [sflag:$0x1], $0x4000, $0x38;
	[tilespmem:$0x1BA00] =	vst v63  }
0x53: {  	_ = 	snop  }
0x54: {  	[hbm4b:s25+s2] =	stream.linear.scatter [tilespmem:s2], [sflag:$0x1], $0x4000, $0x38;
	[tilespmem:$0x1BA00] =	vst v63  }
0x55: {  	_ = 	snop  }
0x56: {  	[hbm4b:s26+s2] =	stream.linear.scatter [tilespmem:s2], [sflag:$0x1], $0x4000, $0x38;
	[tilespmem:$0x1BA00] =	vst v63  }
0x57: {  	_ = 	snop  }
0x58: {  	[hbm4b:s28+s2] =	stream.linear.scatter [tilespmem:s2], [sflag:$0x1], $0x4000, $0x38;
	[tilespmem:$0x1BA00] =	vst v63  }
0x59: {  	_ = 	snop  }
0x5a: {  	[hbm4b:s29+s2] =	stream.linear.scatter [tilespmem:s2], [sflag:$0x1], $0x4000, $0x38;
	[tilespmem:$0x1BA00] =	vst v63  }
0x5b: {  	_ = 	snop  }
0x5c: {  	[hbm4b:s30+s2] =	stream.linear.scatter [tilespmem:s2], [sflag:$0x1], $0x4000, $0x38;
	[tilespmem:$0x1BA00] =	vst v63  }
0x5d: {  	_ = 	snop  }
0x5e: {  	[hbm4b:s31+s2] =	stream.linear.scatter [tilespmem:s2], [sflag:$0x1], $0x4000, $0x38;
	[tilespmem:$0x1BA00] =	vst v63  }
0x5f: {  	_ = 	snop  }
0x60: {  	[hbm4b:s0+s2] =	stream.linear.scatter [tilespmem:s2], [sflag:$0x1], $0x4000, $0x38;
	[tilespmem:$0x1BA00] =	vst v63  }
0x61: {  	_ = 	snop  }
0x62: {  	[hbm4b:s3+s2] =	stream.linear.scatter [tilespmem:s2], [sflag:$0x1], $0x4000, $0x38;
	[tilespmem:$0x1BA00] =	vst v63  }
0x63: {  	_ = 	snop  }
0x64: {  	[hbm4b:s4+s2] =	stream.linear.scatter [tilespmem:s2], [sflag:$0x1], $0x4000, $0x38;
	[tilespmem:$0x1BA00] =	vst v63  }
0x65: {  	_ = 	snop  }
0x66: {  	[hbm4b:s5+s2] =	stream.linear.scatter [tilespmem:s2], [sflag:$0x1], $0x4000, $0x38;
	[tilespmem:$0x1BA00] =	vst v63  }
0x67: {  	_ =	swait.ge [sflag:s8], $0x4000  }
0x68: {  	[sflag:s8] =	ssyncset.done $0x0  }
0x69: {  	[sflag:s8] =	ssyncadd.s32 $0xFFFFC000  }
0x6a: {  	_ =	swait.ge [sflag:s8], $0x4000  }
0x6b: {  	[sflag:s8] =	ssyncset.done $0x0  }
0x6c: {  	[sflag:s8] =	ssyncadd.s32 $0xFFFFC000  }
0x6d: {  	_ =	swait.ge [sflag:s8], $0x4000  }
0x6e: {  	[sflag:s8] =	ssyncset.done $0x0  }
0x6f: {  	[sflag:s8] =	ssyncadd.s32 $0xFFFFC000  }
0x70: {  	_ =	swait.ge [sflag:s8], $0x4000  }
0x71: {  	[sflag:s8] =	ssyncset.done $0x0  }
0x72: {  	[sflag:s8] =	ssyncadd.s32 $0xFFFFC000  }
0x73: {  	_ =	swait.ge [sflag:s8], $0x4000  }
0x74: {  	[sflag:s8] =	ssyncset.done $0x0  }
0x75: {  	[sflag:s8] =	ssyncadd.s32 $0xFFFFC000  }
0x76: {  	_ =	swait.ge [sflag:s8], $0x4000  }
0x77: {  	[sflag:s8] =	ssyncset.done $0x0  }
0x78: {  	[sflag:s8] =	ssyncadd.s32 $0xFFFFC000  }
0x79: {  	_ =	swait.ge [sflag:s8], $0x4000  }
0x7a: {  	[sflag:s8] =	ssyncset.done $0x0  }
0x7b: {  	[sflag:s8] =	ssyncadd.s32 $0xFFFFC000  }
0x7c: {  	_ =	swait.ge [sflag:s8], $0x4000  }
0x7d: {  	[sflag:s8] =	ssyncset.done $0x0  }
0x7e: {  	[sflag:s8] =	ssyncadd.s32 $0xFFFFC000  }
0x7f: {  	_ =	swait.ge [sflag:s8], $0x4000  }
0x80: {  	[sflag:s8] =	ssyncset.done $0x0  }
0x81: {  	[sflag:s8] =	ssyncadd.s32 $0xFFFFC000  }
0x82: {  	_ =	swait.ge [sflag:s8], $0x4000  }
0x83: {  	[sflag:s8] =	ssyncset.done $0x0  }
0x84: {  	[sflag:s8] =	ssyncadd.s32 $0xFFFFC000  }
0x85: {  	_ =	swait.ge [sflag:s8], $0x4000  }
0x86: {  	[sflag:s8] =	ssyncset.done $0x0  }
0x87: {  	[sflag:s8] =	ssyncadd.s32 $0xFFFFC000  }
0x88: {  	_ =	swait.ge [sflag:s8], $0x4000  }
0x89: {  	[sflag:s8] =	ssyncset.done $0x0  }
0x8a: {  	[sflag:s8] =	ssyncadd.s32 $0xFFFFC000  }
0x8b: {  	_ =	swait.ge [sflag:s8], $0x4000  }
0x8c: {  	[sflag:s8] =	ssyncset.done $0x0  }
0x8d: {  	[sflag:s8] =	ssyncadd.s32 $0xFFFFC000  }
0x8e: {  	_ =	swait.ge [sflag:s8], $0x4000  }
0x8f: {  	[sflag:s8] =	ssyncset.done $0x0  }
0x90: {  	[sflag:s8] =	ssyncadd.s32 $0xFFFFC000  }
0x91: {  	_ =	swait.ge [sflag:s8], $0x4000  }
0x92: {  	[sflag:s8] =	ssyncset.done $0x0  }
0x93: {  	[sflag:s8] =	ssyncadd.s32 $0xFFFFC000  }
0x94: {  	_ =	swait.ge [sflag:s8], $0x4000  }
0x95: {  	[sflag:s8] =	ssyncset.done $0x0  }
0x96: {  	[sflag:s8] =	ssyncadd.s32 $0xFFFFC000  }
0x97: {  	_ =	swait.ge [sflag:s8], $0x4000  }
0x98: {  	[sflag:s8] =	ssyncset.done $0x0  }
0x99: {  	[sflag:s8] =	ssyncadd.s32 $0xFFFFC000  }
0x9a: {  	_ =	swait.ge [sflag:s8], $0x4000  }
0x9b: {  	[sflag:s8] =	ssyncset.done $0x0  }
0x9c: {  	[sflag:s8] =	ssyncadd.s32 $0xFFFFC000  }
0x9d: {  	_ =	swait.ge [sflag:s8], $0x4000  }
0x9e: {  	[sflag:s8] =	ssyncset.done $0x0  }
0x9f: {  	[sflag:s8] =	ssyncadd.s32 $0xFFFFC000  }
0xa0: {  	_ =	swait.ge [sflag:s8], $0x4000  }
0xa1: {  	[sflag:s8] =	ssyncset.done $0x0  }
0xa2: {  	[sflag:s8] =	ssyncadd.s32 $0xFFFFC000  }
0xa3: {  	_ =	swait.ge [sflag:s8], $0x4000  }
0xa4: {  	[sflag:s8] =	ssyncset.done $0x0  }
0xa5: {  	[sflag:s8] =	ssyncadd.s32 $0xFFFFC000  }
0xa6: {  	_ =	swait.ge [sflag:s8], $0x4000  }
0xa7: {  	[sflag:s8] =	ssyncset.done $0x0  }
0xa8: {  	[sflag:s8] =	ssyncadd.s32 $0xFFFFC000  }
0xa9: {  	_ =	swait.ge [sflag:s8], $0x4000  }
0xaa: {  	[sflag:s8] =	ssyncset.done $0x0  }
0xab: {  	[sflag:s8] =	ssyncadd.s32 $0xFFFFC000  }
0xac: {  	_ =	swait.ge [sflag:s8], $0x4000  }
0xad: {  	[sflag:s8] =	ssyncset.done $0x0  }
0xae: {  	[sflag:s8] =	ssyncadd.s32 $0xFFFFC000  }
0xaf: {  	_ =	swait.ge [sflag:s8], $0x4000  }
0xb0: {  	[sflag:s8] =	ssyncset.done $0x0  }
0xb1: {  	[sflag:s8] =	ssyncadd.s32 $0xFFFFC000  }
0xb2: {  	_ =	swait.ge [sflag:s8], $0x4000  }
0xb3: {  	[sflag:s8] =	ssyncset.done $0x0  }
0xb4: {  	[sflag:s8] =	ssyncadd.s32 $0xFFFFC000  }
0xb5: {  	_ =	swait.ge [sflag:s8], $0x4000  }
0xb6: {  	[sflag:s8] =	ssyncset.done $0x0  }
0xb7: {  	[sflag:s8] =	ssyncadd.s32 $0xFFFFC000  }
0xb8: {  	_ =	swait.ge [sflag:s8], $0x4000  }
0xb9: {  	[sflag:s8] =	ssyncset.done $0x0  }
0xba: {  	[sflag:s8] =	ssyncadd.s32 $0xFFFFC000  }
0xbb: {  	_ =	swait.ge [sflag:s8], $0x4000  }
0xbc: {  	[sflag:s8] =	ssyncset.done $0x0  }
0xbd: {  	[sflag:s8] =	ssyncadd.s32 $0xFFFFC000  }
0xbe: {  	_ =	swait.ge [sflag:s8], $0x4000  }
0xbf: {  	[sflag:s8] =	ssyncset.done $0x0  }
0xc0: {  	[sflag:s8] =	ssyncadd.s32 $0xFFFFC000  }
0xc1: {  	_ =	swait.ge [sflag:s8], $0x4000  }
0xc2: {  	[sflag:s8] =	ssyncset.done $0x0  }
0xc3: {  	[sflag:s8] =	ssyncadd.s32 $0xFFFFC000  }
0xc4: {  	_ =	swait.ge [sflag:s8], $0x4000  }
0xc5: {  	[sflag:s8] =	ssyncset.done $0x0  }
0xc6: {  	[sflag:s8] =	ssyncadd.s32 $0xFFFFC000  }
0xc7: {  	[bflag:$0x0] =	sbarrier.arrive $0xFFFF  }
0xc8: {  	s11 =	sadd.s32 $0x1, s11;
	_ =	swait.ge [sflag:s9], $0x7E00  }
0xc9: {  	p0 =	sne.s32 s11, s6;
	[sflag:s9] =	ssyncset.done $0x0  }
.Ltmp2:
0xca: {  	s13 =	simm.s32 $0xBE00;
	[sflag:s9] =	ssyncadd.s32 $0xFFFF8200;
	(pc) =	sbr.rel @p0 .LBB2_1-.Ltmp2, $4  }
0xcb: {  	[tilespmem:s13], [sflag:$0x3] =	stream.linear.gather [hbm4b:s7+s2], $0x7E00, $0x38;
	[tilespmem:$0x1BA00] =	vst v63  }
0xcc: {  	_ =	swait.ge [sflag:s10], $0x7E00  }
0xcd: {  	[sflag:s10] =	ssyncset.done $0x0  }
0xce: {  	[sflag:s10] =	ssyncadd.s32 $0xFFFF8200  }
0xcf: {  	_ =	sfence.sel $0x180000  }
0xd0: {  	[bflag:$0x0] =	sbarrier.arrive $0xFFFF  }
0xd1: {  	_ =	strace $0x90000047  }
0xd2: {  	s0 =	stileid.u32;
	[bflag:$0x2] =	sbarrier.arrive $0xFFFF  }
0xd3: {  	p0 =	sne.s32 s0, $0x0;
	s0 =	rddreg [dreg:$0x2]  }
0xd4: {  	s0 =	sadd.s32 @!p0 $0x100000, s0  }
0xd5: {  	[sflag:s0] =	ssyncadd.tile.s32 @!p0 $0x1;
	_ =	shalt  }
.Lfunc_end2:
_tile_overlayer_lowered:
.L_overlay_start_2:
0xd6: {  	(tag) =	ssettag $0x2  }
0xd7: {  	s0 =	rddreg [dreg:$0x0];
	s2 =	stileid.u32  }
0xd8: {  	s1 =	rddreg [dreg:$0x1];
	p0 =	sne.s32 s2, $0x0  }
0xd9: {  	s3 =	rddreg [dreg:$0x2];
	[bflag:$0x3] =	sbarrier.arrive $0xFFFF;
	s2 =	simm.s32 @!p0 $0x1C03  }
0xda: {  	[timem:s3], [sflag:s2] =	dma.local @!p0 [hbm:s0], s1  }
0xdb: {  	s0 =	simm.s32 @!p0 $0x3  }
0xdc: {  	_ =	swait.ge @!p0 [sflag:s0], s1  }
0xdd: {  	s1 =	ssub.s32 @!p0 $0x0, s1;
	[sflag:s0] =	ssyncset.done @!p0 $0x0  }
0xde: {  	[sflag:s0] =	ssyncadd.s32 @!p0 s1  }
0xdf: {  	[bflag:$0x3] =	sbarrier.arrive $0xFFFF  }
0xe0: {  	_ =	shalt  }

</sc_bundles>
